<compile_context>
chip_gen: v7x
topology: tpu7x:2x2x1
jax: 0.10.2.dev20260603
libtpu: 0.0.44.dev20260713+nightly
codegen_flags: <defaults>
</compile_context>

<pallas_src>
import numpy as np
import jax
import jax.numpy as jnp
from jax import lax
from jax.experimental import pallas as pl
from jax.experimental.pallas import tpu as pltpu
from jax.experimental.pallas import tpu_sc as plsc

_B, _C, _H, _W = 8, 4, 512, 512
_HW = _H * _W
_NPIX = _B * _HW
_NW = 32
_PPW = _NPIX // _NW
_T = 8192
_NVEC = _T // 16
_K_SC = 1
_STEPS = _K_SC

_ALPHA = 0.75
_W4 = np.array([1 - 0.694139, 1 - 0.088105, 1 - 0.072427, 1 - 0.145329],
               dtype=np.float32)
_WTAB = -(_ALPHA * np.log(2.0) / _NPIX) * _W4.astype(np.float64)

_LO = np.float32(1e-8)

_P4, _P3, _P2, _P1 = -0.08001088, 0.3154676, -0.67293417, 1.4373021
_P0M127 = 0.00010018903 - 127.0
_Q0, _Q1, _Q2, _Q3 = (-7.58195e-08, -2.6486185e-07, 1.3536362e-07,
                      -2.0730770e-08)


def _sc_body(out_hbm, mask_hbm, res_hbm,
             xb0, xb1, mb0, mb1, accb, sem0, sem1):
    ci = lax.axis_index("c")
    si = lax.axis_index("s")
    wid = si * 2 + ci
    xbufs = (xb0, xb1)
    mbufs = (mb0, mb1)
    sems = (sem0, sem1)

    def issue(s, p):
        g = wid * _K_SC + s
        b = (_B - _K_SC) + g // 32
        h0 = (g % 32) * 16
        ds = []
        ds.append(pltpu.async_copy(
            mask_hbm.at[b, 0, pl.ds(h0, 16), :], mbufs[p], sems[p]))
        for c in range(_C):
            src = out_hbm.at[b, c, pl.ds(h0, 16), :]
            ds.append(pltpu.async_copy(
                src, xbufs[p].at[pl.ds(c * 16, 16), :], sems[p]))
        return ds

    iot = lax.iota(jnp.int32, 16)
    zero = jnp.zeros((16,), jnp.float32)
    accs = (zero, zero, zero, zero)
    pend = issue(0, 0)
    for s in range(_STEPS):
        p = s & 1
        for d in pend:
            d.wait()
        if s + 1 < _STEPS:
            pend = issue(s + 1, p ^ 1)
        xb = xbufs[p]
        mb = mbufs[p]

        def body(v, accs, xb=xb, mb=mb):
            out = []
            for j in range(4):
                vj = v + j
                r = vj & 15
                w0 = vj & -16
                w_idx = iot + w0
                m = mb[r, pl.ds(w0, 16)]
                x = plsc.load_gather(xb, [(m << 4) + r, w_idx])
                u = plsc.bitcast(jnp.maximum(x, _LO), jnp.int32)
                ef = (u >> 23).astype(jnp.float32)
                mf = plsc.bitcast((u & 0x007FFFFF) | 0x3F800000,
                                  jnp.float32)
                rm = mf - 1.0
                pv = _P4
                for co in (_P3, _P2, _P1, _P0M127):
                    pv = pv * rm + co
                l2 = ef + pv
                mfl = m.astype(jnp.float32)
                wv = _Q3
                for co in (_Q2, _Q1, _Q0):
                    wv = wv * mfl + co
                out.append(accs[j] + l2 * wv)
            return tuple(out)

        accs = plsc.parallel_loop(0, _NVEC, step=4, unroll=1,
                                  carry=accs)(body)

    accb[...] = (accs[0] + accs[1]) + (accs[2] + accs[3])
    pltpu.sync_copy(accb, res_hbm.at[pl.ds(wid * 16, 16)])


_sc_loss = pl.kernel(
    _sc_body,
    out_type=jax.ShapeDtypeStruct((_NW * 16,), jnp.float32),
    mesh=plsc.VectorSubcoreMesh(core_axis_name="c", subcore_axis_name="s"),
    compiler_params=pltpu.CompilerParams(needs_layout_passes=False,
                                         use_tc_tiling_on_sc=True),
    scratch_types=[
        pltpu.VMEM((_C * 16, 512), jnp.float32),
        pltpu.VMEM((_C * 16, 512), jnp.float32),
        pltpu.VMEM((16, 512), jnp.int32),
        pltpu.VMEM((16, 512), jnp.int32),
        pltpu.VMEM((16,), jnp.float32),
        pltpu.SemaphoreType.DMA,
        pltpu.SemaphoreType.DMA,
    ],
)



_HI = np.float32(1.0 - 1e-8)
_SCALE = np.float32(-_ALPHA / _NPIX)
_W0, _W1, _W2, _W3 = (np.float32(w) for w in _W4)


def _tc_body(out_ref, mask_ref, part_ref):
    x = out_ref[0]
    m = mask_ref[0, 0]
    e1 = m == 1
    e2 = m == 2
    e3 = m == 3
    sel = jnp.where(e1, x[1], x[0])
    sel = jnp.where(e2, x[2], sel)
    sel = jnp.where(e3, x[3], sel)
    sel = jnp.minimum(jnp.maximum(sel, _LO), _HI)
    w = jnp.where(e1, _W1, _W0)
    w = jnp.where(e2, _W2, w)
    w = jnp.where(e3, _W3, w)
    t = jnp.log(sel) * w
    part_ref[0, 0] = jnp.sum(t.reshape(32, 8, 512), axis=0) * _SCALE


def _tc_loss(output, mask):
    nb = output.shape[0]
    return pl.pallas_call(
        _tc_body,
        grid=(nb, 2),
        in_specs=[
            pl.BlockSpec((1, 4, 256, 512), lambda b, h: (b, 0, h, 0)),
            pl.BlockSpec((1, 1, 256, 512), lambda b, h: (b, 0, h, 0)),
        ],
        out_specs=pl.BlockSpec((1, 1, 8, 512), lambda b, h: (b, h, 0, 0)),
        out_shape=jax.ShapeDtypeStruct((nb, 2, 8, 512), jnp.float32),
    )(output, mask)


def _tc_loss_front(output, mask):
    nb = _B - _K_SC
    return pl.pallas_call(
        _tc_body,
        grid=(nb, 2),
        in_specs=[
            pl.BlockSpec((1, 4, 256, 512), lambda b, h: (b, 0, h, 0)),
            pl.BlockSpec((1, 1, 256, 512), lambda b, h: (b, 0, h, 0)),
        ],
        out_specs=pl.BlockSpec((1, 1, 8, 512), lambda b, h: (b, h, 0, 0)),
        out_shape=jax.ShapeDtypeStruct((nb, 2, 8, 512), jnp.float32),
    )(output, mask)


def kernel(output, mask):
    parts = _tc_loss_front(output, mask)
    res_sc = _sc_loss(output, mask)
    return jnp.sum(parts) + jnp.sum(res_sc)

# --- scband reference (transcript-rebuilt; emitter-appended) ---
"""Pipeline reference for scband-mask-loss-57801669870112 (READ-ONLY COPY).

The authoritative reference and input builder live on the scoring server;
editing this copy changes nothing except your own understanding.
"""

import jax, jax.numpy as jnp
import numpy as np

ALPHA = 0.75
WEIGHT = jnp.array([1 - 0.694139, 1 - 0.088105, 1 - 0.072427, 1 - 0.145329], dtype=jnp.float32)


def setup_inputs(seed: int = 0) -> dict:
    key = jax.random.key(seed)
    k1, k2 = jax.random.split(key)
    output = jax.random.uniform(k1, (8, 4, 512, 512), dtype=jnp.float32)
    mask = jax.random.randint(k2, (8, 1, 512, 512), 0, 4, dtype=jnp.int32)
    return {"output": output, "mask": mask}


def reference(output, mask):
    B, C, H, W = output.shape
    out_c = jnp.clip(output, 1e-08, 1.0 - 1e-08).astype(jnp.float32)
    # masks = zeros.scatter_(1, mask, 1.0) -> one-hot along channel dim
    masks = (mask == jnp.arange(C, dtype=mask.dtype).reshape(1, C, 1, 1)).astype(jnp.float32)
    # weights[:, i] = weight[i] for all 4 channels
    weights = jnp.broadcast_to(WEIGHT.reshape(1, C, 1, 1), (B, C, H, W))
    # pos branch: masks >= 1 -> one element per pixel; pos = output * 1
    pos_term = -jnp.log(out_c) * weights
    pos_count = jnp.sum(masks)
    pos_mean = jnp.sum(masks * pos_term) / pos_count
    # neg branch: masks <= 0 -> neg = output * 0 = 0, so -log(1 - neg) = 0 (kept faithfully)
    neg_mask = 1.0 - masks
    neg_term = -jnp.log(1.0 - out_c * masks) * (1.0 - weights)
    neg_count = jnp.sum(neg_mask)
    neg_mean = jnp.sum(neg_mask * neg_term) / neg_count
    loss = ALPHA * pos_mean + (1.0 - ALPHA) * neg_mean
    return loss

if __name__ == "__main__":
    import jax
    _d = setup_inputs()
    print(jax.jit(kernel)(*tuple(_d.values())))

</pallas_src>

<mosaic_0001>
#map = affine_map<(d0, d1) -> (0, 0, 0, 0)>
#map1 = affine_map<(d0, d1) -> (0)>
module attributes {stable_mosaic.version = 14 : i64} {
  func.func @_sc_body(%arg0: i32, %arg1: i32, %arg2: memref<8x4x512x512xf32, #tpu.memory_space<hbm>>, %arg3: memref<8x1x512x512xi32, #tpu.memory_space<hbm>>, %arg4: memref<512xf32, #tpu.memory_space<hbm>>, %arg5: memref<64x512xf32, #tpu.memory_space<vmem>>, %arg6: memref<64x512xf32, #tpu.memory_space<vmem>>, %arg7: memref<16x512xi32, #tpu.memory_space<vmem>>, %arg8: memref<16x512xi32, #tpu.memory_space<vmem>>, %arg9: memref<16xf32, #tpu.memory_space<vmem>>, %arg10: memref<!tpu.dma_semaphore, #tpu.memory_space<semaphore_mem>>, %arg11: memref<!tpu.dma_semaphore, #tpu.memory_space<semaphore_mem>>) attributes {dimension_semantics = [#tpu.dimension_semantics<core_parallel>, #tpu.dimension_semantics<subcore_parallel>], iteration_bounds = array<i64: 2, 16>, scalar_prefetch = 0 : i64, scratch_operands = 7 : i64, tpu.core_type = #tpu.core_type<sc_vector_subcore>, window_params = [{transform_indices = #map}, {transform_indices = #map}, {transform_indices = #map1}]} {
    %mul3A = arith.constant 2 : i32
    %mul3A_0 = arith.muli %arg1, %mul3A : i32
    %add3A = arith.addi %mul3A_0, %arg0 : i32
    %iota3A = tpu.iota {dimensions = array<i32: 0>} : vector<16xi32>
    %broadcast_in_dim3A = arith.constant 0.000000e+00 : f32
    %broadcast_in_dim3A_1 = vector.broadcast %broadcast_in_dim3A : f32 to vector<16xf32>
    %mul3A_2 = arith.constant 1 : i32
    %mul3A_3 = arith.muli %add3A, %mul3A_2 : i32
    %add3A_4 = arith.constant 0 : i32
    %add3A_5 = arith.addi %mul3A_3, %add3A_4 : i32
    %jit3A = arith.constant 32 : i32
    %div3A = arith.divsi %add3A_5, %jit3A : i32
    %sign3A = arith.constant 0 : i32
    %sign3A_6 = arith.cmpi sgt, %add3A_5, %sign3A : i32
    %sign3A_7 = arith.extui %sign3A_6 : i1 to i32
    %sign3A_8 = arith.constant 0 : i32
    %sign3A_9 = arith.cmpi slt, %add3A_5, %sign3A_8 : i32
    %sign3A_10 = arith.extui %sign3A_9 : i1 to i32
    %sign3A_11 = arith.subi %sign3A_7, %sign3A_10 : i32
    %sign3A_12 = arith.constant 0 : i32
    %sign3A_13 = arith.cmpi sgt, %jit3A, %sign3A_12 : i32
    %sign3A_14 = arith.extui %sign3A_13 : i1 to i32
    %sign3A_15 = arith.constant 0 : i32
    %sign3A_16 = arith.cmpi slt, %jit3A, %sign3A_15 : i32
    %sign3A_17 = arith.extui %sign3A_16 : i1 to i32
    %sign3A_18 = arith.subi %sign3A_14, %sign3A_17 : i32
    %ne3A = arith.cmpi ne, %sign3A_11, %sign3A_18 : i32
    %rem3A = arith.remsi %add3A_5, %jit3A : i32
    %ne3A_19 = arith.constant 0 : i32
    %ne3A_20 = arith.cmpi ne, %rem3A, %ne3A_19 : i32
    %and3A = arith.andi %ne3A, %ne3A_20 : i1
    %sub3A = arith.constant 1 : i32
    %sub3A_21 = arith.subi %div3A, %sub3A : i32
    %select_n3A = arith.select %and3A, %sub3A_21, %div3A : i32
    %add3A_22 = arith.constant 7 : i32
    %add3A_23 = arith.addi %add3A_22, %select_n3A : i32
    %jit3A_24 = arith.constant 32 : i32
    %eq3A = arith.constant 0 : i32
    %eq3A_25 = arith.cmpi eq, %jit3A_24, %eq3A : i32
    %jit3A_26 = arith.constant 1 : i32
    %select_n3A_27 = arith.select %eq3A_25, %jit3A_26, %jit3A_24 : i32
    %rem3A_28 = arith.remsi %add3A_5, %select_n3A_27 : i32
    %ne3A_29 = arith.constant 0 : i32
    %ne3A_30 = arith.cmpi ne, %rem3A_28, %ne3A_29 : i32
    %lt3A = arith.constant 0 : i32
    %lt3A_31 = arith.cmpi slt, %rem3A_28, %lt3A : i32
    %lt3A_32 = arith.constant 0 : i32
    %lt3A_33 = arith.cmpi slt, %select_n3A_27, %lt3A_32 : i32
    %ne3A_34 = arith.xori %lt3A_31, %lt3A_33 : i1
    %and3A_35 = arith.andi %ne3A_34, %ne3A_30 : i1
    %add3A_36 = arith.addi %rem3A_28, %select_n3A_27 : i32
    %select_n3A_37 = arith.select %and3A_35, %add3A_36, %rem3A_28 : i32
    %mul3A_38 = arith.constant 16 : i32
    %mul3A_39 = arith.muli %select_n3A_37, %mul3A_38 : i32
    %dma_start3A = arith.constant 0 : i32
    %dma_start3A_40 = arith.constant 0 : i32
    %dma_start3A_41 = tpu.memref_slice %arg3[%add3A_23, %dma_start3A, %mul3A_39, %dma_start3A_40] : memref<8x1x512x512xi32, #tpu.memory_space<hbm>> -> memref<1x1x16x512xi32, #tpu.memory_space<hbm>>
    %dma_start3A_42 = tpu.memref_squeeze %dma_start3A_41 : memref<1x1x16x512xi32, #tpu.memory_space<hbm>> -> memref<16x512xi32, #tpu.memory_space<hbm>>
    %dma_start3A_43 = arith.constant 0 : i32
    %dma_start3A_44 = tpu.memref_slice %arg3[%add3A_23, %dma_start3A, %mul3A_39, %dma_start3A_43] : memref<8x1x512x512xi32, #tpu.memory_space<hbm>> -> memref<1x1x16x512xi32, #tpu.memory_space<hbm>>
    %dma_start3A_45 = tpu.memref_squeeze %dma_start3A_44 : memref<1x1x16x512xi32, #tpu.memory_space<hbm>> -> memref<16x512xi32, #tpu.memory_space<hbm>>
    tpu.enqueue_dma source(%dma_start3A_45 : memref<16x512xi32, #tpu.memory_space<hbm>>) target(%arg7 : memref<16x512xi32, #tpu.memory_space<vmem>>) target_semaphore(%arg10 : memref<!tpu.dma_semaphore, #tpu.memory_space<semaphore_mem>>)
    %dma_start3A_46 = arith.constant 0 : i32
    %dma_start3A_47 = arith.constant 0 : i32
    %dma_start3A_48 = arith.constant 0 : i32
    %dma_start3A_49 = tpu.memref_slice %arg5[%dma_start3A_47, %dma_start3A_48] : memref<64x512xf32, #tpu.memory_space<vmem>> -> memref<16x512xf32, #tpu.memory_space<vmem>>
    %dma_start3A_50 = arith.constant 0 : i32
    %dma_start3A_51 = tpu.memref_slice %arg2[%add3A_23, %dma_start3A_46, %mul3A_39, %dma_start3A_50] : memref<8x4x512x512xf32, #tpu.memory_space<hbm>> -> memref<1x1x16x512xf32, #tpu.memory_space<hbm>>
    %dma_start3A_52 = tpu.memref_squeeze %dma_start3A_51 : memref<1x1x16x512xf32, #tpu.memory_space<hbm>> -> memref<16x512xf32, #tpu.memory_space<hbm>>
    %dma_start3A_53 = arith.constant 0 : i32
    %dma_start3A_54 = arith.constant 0 : i32
    %dma_start3A_55 = tpu.memref_slice %arg5[%dma_start3A_53, %dma_start3A_54] : memref<64x512xf32, #tpu.memory_space<vmem>> -> memref<16x512xf32, #tpu.memory_space<vmem>>
    %dma_start3A_56 = arith.constant 0 : i32
    %dma_start3A_57 = tpu.memref_slice %arg2[%add3A_23, %dma_start3A_46, %mul3A_39, %dma_start3A_56] : memref<8x4x512x512xf32, #tpu.memory_space<hbm>> -> memref<1x1x16x512xf32, #tpu.memory_space<hbm>>
    %dma_start3A_58 = tpu.memref_squeeze %dma_start3A_57 : memref<1x1x16x512xf32, #tpu.memory_space<hbm>> -> memref<16x512xf32, #tpu.memory_space<hbm>>
    tpu.enqueue_dma source(%dma_start3A_58 : memref<16x512xf32, #tpu.memory_space<hbm>>) target(%dma_start3A_55 : memref<16x512xf32, #tpu.memory_space<vmem>>) target_semaphore(%arg10 : memref<!tpu.dma_semaphore, #tpu.memory_space<semaphore_mem>>)
    %dma_start3A_59 = arith.constant 1 : i32
    %dma_start3A_60 = arith.constant 16 : i32
    %dma_start3A_61 = arith.constant 0 : i32
    %dma_start3A_62 = tpu.memref_slice %arg5[%dma_start3A_60, %dma_start3A_61] : memref<64x512xf32, #tpu.memory_space<vmem>> -> memref<16x512xf32, #tpu.memory_space<vmem>>
    %dma_start3A_63 = arith.constant 0 : i32
    %dma_start3A_64 = tpu.memref_slice %arg2[%add3A_23, %dma_start3A_59, %mul3A_39, %dma_start3A_63] : memref<8x4x512x512xf32, #tpu.memory_space<hbm>> -> memref<1x1x16x512xf32, #tpu.memory_space<hbm>>
    %dma_start3A_65 = tpu.memref_squeeze %dma_start3A_64 : memref<1x1x16x512xf32, #tpu.memory_space<hbm>> -> memref<16x512xf32, #tpu.memory_space<hbm>>
    %dma_start3A_66 = arith.constant 16 : i32
    %dma_start3A_67 = arith.constant 0 : i32
    %dma_start3A_68 = tpu.memref_slice %arg5[%dma_start3A_66, %dma_start3A_67] : memref<64x512xf32, #tpu.memory_space<vmem>> -> memref<16x512xf32, #tpu.memory_space<vmem>>
    %dma_start3A_69 = arith.constant 0 : i32
    %dma_start3A_70 = tpu.memref_slice %arg2[%add3A_23, %dma_start3A_59, %mul3A_39, %dma_start3A_69] : memref<8x4x512x512xf32, #tpu.memory_space<hbm>> -> memref<1x1x16x512xf32, #tpu.memory_space<hbm>>
    %dma_start3A_71 = tpu.memref_squeeze %dma_start3A_70 : memref<1x1x16x512xf32, #tpu.memory_space<hbm>> -> memref<16x512xf32, #tpu.memory_space<hbm>>
    tpu.enqueue_dma source(%dma_start3A_71 : memref<16x512xf32, #tpu.memory_space<hbm>>) target(%dma_start3A_68 : memref<16x512xf32, #tpu.memory_space<vmem>>) target_semaphore(%arg10 : memref<!tpu.dma_semaphore, #tpu.memory_space<semaphore_mem>>)
    %dma_start3A_72 = arith.constant 2 : i32
    %dma_start3A_73 = arith.constant 32 : i32
    %dma_start3A_74 = arith.constant 0 : i32
    %dma_start3A_75 = tpu.memref_slice %arg5[%dma_start3A_73, %dma_start3A_74] : memref<64x512xf32, #tpu.memory_space<vmem>> -> memref<16x512xf32, #tpu.memory_space<vmem>>
    %dma_start3A_76 = arith.constant 0 : i32
    %dma_start3A_77 = tpu.memref_slice %arg2[%add3A_23, %dma_start3A_72, %mul3A_39, %dma_start3A_76] : memref<8x4x512x512xf32, #tpu.memory_space<hbm>> -> memref<1x1x16x512xf32, #tpu.memory_space<hbm>>
    %dma_start3A_78 = tpu.memref_squeeze %dma_start3A_77 : memref<1x1x16x512xf32, #tpu.memory_space<hbm>> -> memref<16x512xf32, #tpu.memory_space<hbm>>
    %dma_start3A_79 = arith.constant 32 : i32
    %dma_start3A_80 = arith.constant 0 : i32
    %dma_start3A_81 = tpu.memref_slice %arg5[%dma_start3A_79, %dma_start3A_80] : memref<64x512xf32, #tpu.memory_space<vmem>> -> memref<16x512xf32, #tpu.memory_space<vmem>>
    %dma_start3A_82 = arith.constant 0 : i32
    %dma_start3A_83 = tpu.memref_slice %arg2[%add3A_23, %dma_start3A_72, %mul3A_39, %dma_start3A_82] : memref<8x4x512x512xf32, #tpu.memory_space<hbm>> -> memref<1x1x16x512xf32, #tpu.memory_space<hbm>>
    %dma_start3A_84 = tpu.memref_squeeze %dma_start3A_83 : memref<1x1x16x512xf32, #tpu.memory_space<hbm>> -> memref<16x512xf32, #tpu.memory_space<hbm>>
    tpu.enqueue_dma source(%dma_start3A_84 : memref<16x512xf32, #tpu.memory_space<hbm>>) target(%dma_start3A_81 : memref<16x512xf32, #tpu.memory_space<vmem>>) target_semaphore(%arg10 : memref<!tpu.dma_semaphore, #tpu.memory_space<semaphore_mem>>)
    %dma_start3A_85 = arith.constant 3 : i32
    %dma_start3A_86 = arith.constant 48 : i32
    %dma_start3A_87 = arith.constant 0 : i32
    %dma_start3A_88 = tpu.memref_slice %arg5[%dma_start3A_86, %dma_start3A_87] : memref<64x512xf32, #tpu.memory_space<vmem>> -> memref<16x512xf32, #tpu.memory_space<vmem>>
    %dma_start3A_89 = arith.constant 0 : i32
    %dma_start3A_90 = tpu.memref_slice %arg2[%add3A_23, %dma_start3A_85, %mul3A_39, %dma_start3A_89] : memref<8x4x512x512xf32, #tpu.memory_space<hbm>> -> memref<1x1x16x512xf32, #tpu.memory_space<hbm>>
    %dma_start3A_91 = tpu.memref_squeeze %dma_start3A_90 : memref<1x1x16x512xf32, #tpu.memory_space<hbm>> -> memref<16x512xf32, #tpu.memory_space<hbm>>
    %dma_start3A_92 = arith.constant 48 : i32
    %dma_start3A_93 = arith.constant 0 : i32
    %dma_start3A_94 = tpu.memref_slice %arg5[%dma_start3A_92, %dma_start3A_93] : memref<64x512xf32, #tpu.memory_space<vmem>> -> memref<16x512xf32, #tpu.memory_space<vmem>>
    %dma_start3A_95 = arith.constant 0 : i32
    %dma_start3A_96 = tpu.memref_slice %arg2[%add3A_23, %dma_start3A_85, %mul3A_39, %dma_start3A_95] : memref<8x4x512x512xf32, #tpu.memory_space<hbm>> -> memref<1x1x16x512xf32, #tpu.memory_space<hbm>>
    %dma_start3A_97 = tpu.memref_squeeze %dma_start3A_96 : memref<1x1x16x512xf32, #tpu.memory_space<hbm>> -> memref<16x512xf32, #tpu.memory_space<hbm>>
    tpu.enqueue_dma source(%dma_start3A_97 : memref<16x512xf32, #tpu.memory_space<hbm>>) target(%dma_start3A_94 : memref<16x512xf32, #tpu.memory_space<vmem>>) target_semaphore(%arg10 : memref<!tpu.dma_semaphore, #tpu.memory_space<semaphore_mem>>)
    %dma_wait3A = arith.constant 0 : i32
    %dma_wait3A_98 = arith.constant 0 : i32
    %dma_wait3A_99 = tpu.memref_slice %arg3[%add3A_23, %dma_wait3A, %mul3A_39, %dma_wait3A_98] : memref<8x1x512x512xi32, #tpu.memory_space<hbm>> -> memref<1x1x16x512xi32, #tpu.memory_space<hbm>>
    %dma_wait3A_100 = tpu.memref_squeeze %dma_wait3A_99 : memref<1x1x16x512xi32, #tpu.memory_space<hbm>> -> memref<16x512xi32, #tpu.memory_space<hbm>>
    %dma_wait3A_101 = arith.constant 0 : i32
    %dma_wait3A_102 = tpu.memref_slice %arg3[%add3A_23, %dma_wait3A, %mul3A_39, %dma_wait3A_101] : memref<8x1x512x512xi32, #tpu.memory_space<hbm>> -> memref<1x1x16x512xi32, #tpu.memory_space<hbm>>
    %dma_wait3A_103 = tpu.memref_squeeze %dma_wait3A_102 : memref<1x1x16x512xi32, #tpu.memory_space<hbm>> -> memref<16x512xi32, #tpu.memory_space<hbm>>
    tpu.wait_dma2 semaphore(%arg10 : memref<!tpu.dma_semaphore, #tpu.memory_space<semaphore_mem>>) src(%dma_wait3A_103 : memref<16x512xi32, #tpu.memory_space<hbm>>) dst(%arg7 : memref<16x512xi32, #tpu.memory_space<vmem>>)
    %dma_wait3A_104 = arith.constant 0 : i32
    %dma_wait3A_105 = arith.constant 0 : i32
    %dma_wait3A_106 = arith.constant 0 : i32
    %dma_wait3A_107 = tpu.memref_slice %arg5[%dma_wait3A_105, %dma_wait3A_106] : memref<64x512xf32, #tpu.memory_space<vmem>> -> memref<16x512xf32, #tpu.memory_space<vmem>>
    %dma_wait3A_108 = arith.constant 0 : i32
    %dma_wait3A_109 = tpu.memref_slice %arg2[%add3A_23, %dma_wait3A_104, %mul3A_39, %dma_wait3A_108] : memref<8x4x512x512xf32, #tpu.memory_space<hbm>> -> memref<1x1x16x512xf32, #tpu.memory_space<hbm>>
    %dma_wait3A_110 = tpu.memref_squeeze %dma_wait3A_109 : memref<1x1x16x512xf32, #tpu.memory_space<hbm>> -> memref<16x512xf32, #tpu.memory_space<hbm>>
    %dma_wait3A_111 = arith.constant 0 : i32
    %dma_wait3A_112 = arith.constant 0 : i32
    %dma_wait3A_113 = tpu.memref_slice %arg5[%dma_wait3A_111, %dma_wait3A_112] : memref<64x512xf32, #tpu.memory_space<vmem>> -> memref<16x512xf32, #tpu.memory_space<vmem>>
    %dma_wait3A_114 = arith.constant 0 : i32
    %dma_wait3A_115 = tpu.memref_slice %arg2[%add3A_23, %dma_wait3A_104, %mul3A_39, %dma_wait3A_114] : memref<8x4x512x512xf32, #tpu.memory_space<hbm>> -> memref<1x1x16x512xf32, #tpu.memory_space<hbm>>
    %dma_wait3A_116 = tpu.memref_squeeze %dma_wait3A_115 : memref<1x1x16x512xf32, #tpu.memory_space<hbm>> -> memref<16x512xf32, #tpu.memory_space<hbm>>
    tpu.wait_dma2 semaphore(%arg10 : memref<!tpu.dma_semaphore, #tpu.memory_space<semaphore_mem>>) src(%dma_wait3A_116 : memref<16x512xf32, #tpu.memory_space<hbm>>) dst(%dma_wait3A_113 : memref<16x512xf32, #tpu.memory_space<vmem>>)
    %dma_wait3A_117 = arith.constant 1 : i32
    %dma_wait3A_118 = arith.constant 16 : i32
    %dma_wait3A_119 = arith.constant 0 : i32
    %dma_wait3A_120 = tpu.memref_slice %arg5[%dma_wait3A_118, %dma_wait3A_119] : memref<64x512xf32, #tpu.memory_space<vmem>> -> memref<16x512xf32, #tpu.memory_space<vmem>>
    %dma_wait3A_121 = arith.constant 0 : i32
    %dma_wait3A_122 = tpu.memref_slice %arg2[%add3A_23, %dma_wait3A_117, %mul3A_39, %dma_wait3A_121] : memref<8x4x512x512xf32, #tpu.memory_space<hbm>> -> memref<1x1x16x512xf32, #tpu.memory_space<hbm>>
    %dma_wait3A_123 = tpu.memref_squeeze %dma_wait3A_122 : memref<1x1x16x512xf32, #tpu.memory_space<hbm>> -> memref<16x512xf32, #tpu.memory_space<hbm>>
    %dma_wait3A_124 = arith.constant 16 : i32
    %dma_wait3A_125 = arith.constant 0 : i32
    %dma_wait3A_126 = tpu.memref_slice %arg5[%dma_wait3A_124, %dma_wait3A_125] : memref<64x512xf32, #tpu.memory_space<vmem>> -> memref<16x512xf32, #tpu.memory_space<vmem>>
    %dma_wait3A_127 = arith.constant 0 : i32
    %dma_wait3A_128 = tpu.memref_slice %arg2[%add3A_23, %dma_wait3A_117, %mul3A_39, %dma_wait3A_127] : memref<8x4x512x512xf32, #tpu.memory_space<hbm>> -> memref<1x1x16x512xf32, #tpu.memory_space<hbm>>
    %dma_wait3A_129 = tpu.memref_squeeze %dma_wait3A_128 : memref<1x1x16x512xf32, #tpu.memory_space<hbm>> -> memref<16x512xf32, #tpu.memory_space<hbm>>
    tpu.wait_dma2 semaphore(%arg10 : memref<!tpu.dma_semaphore, #tpu.memory_space<semaphore_mem>>) src(%dma_wait3A_129 : memref<16x512xf32, #tpu.memory_space<hbm>>) dst(%dma_wait3A_126 : memref<16x512xf32, #tpu.memory_space<vmem>>)
    %dma_wait3A_130 = arith.constant 2 : i32
    %dma_wait3A_131 = arith.constant 32 : i32
    %dma_wait3A_132 = arith.constant 0 : i32
    %dma_wait3A_133 = tpu.memref_slice %arg5[%dma_wait3A_131, %dma_wait3A_132] : memref<64x512xf32, #tpu.memory_space<vmem>> -> memref<16x512xf32, #tpu.memory_space<vmem>>
    %dma_wait3A_134 = arith.constant 0 : i32
    %dma_wait3A_135 = tpu.memref_slice %arg2[%add3A_23, %dma_wait3A_130, %mul3A_39, %dma_wait3A_134] : memref<8x4x512x512xf32, #tpu.memory_space<hbm>> -> memref<1x1x16x512xf32, #tpu.memory_space<hbm>>
    %dma_wait3A_136 = tpu.memref_squeeze %dma_wait3A_135 : memref<1x1x16x512xf32, #tpu.memory_space<hbm>> -> memref<16x512xf32, #tpu.memory_space<hbm>>
    %dma_wait3A_137 = arith.constant 32 : i32
    %dma_wait3A_138 = arith.constant 0 : i32
    %dma_wait3A_139 = tpu.memref_slice %arg5[%dma_wait3A_137, %dma_wait3A_138] : memref<64x512xf32, #tpu.memory_space<vmem>> -> memref<16x512xf32, #tpu.memory_space<vmem>>
    %dma_wait3A_140 = arith.constant 0 : i32
    %dma_wait3A_141 = tpu.memref_slice %arg2[%add3A_23, %dma_wait3A_130, %mul3A_39, %dma_wait3A_140] : memref<8x4x512x512xf32, #tpu.memory_space<hbm>> -> memref<1x1x16x512xf32, #tpu.memory_space<hbm>>
    %dma_wait3A_142 = tpu.memref_squeeze %dma_wait3A_141 : memref<1x1x16x512xf32, #tpu.memory_space<hbm>> -> memref<16x512xf32, #tpu.memory_space<hbm>>
    tpu.wait_dma2 semaphore(%arg10 : memref<!tpu.dma_semaphore, #tpu.memory_space<semaphore_mem>>) src(%dma_wait3A_142 : memref<16x512xf32, #tpu.memory_space<hbm>>) dst(%dma_wait3A_139 : memref<16x512xf32, #tpu.memory_space<vmem>>)
    %dma_wait3A_143 = arith.constant 3 : i32
    %dma_wait3A_144 = arith.constant 48 : i32
    %dma_wait3A_145 = arith.constant 0 : i32
    %dma_wait3A_146 = tpu.memref_slice %arg5[%dma_wait3A_144, %dma_wait3A_145] : memref<64x512xf32, #tpu.memory_space<vmem>> -> memref<16x512xf32, #tpu.memory_space<vmem>>
    %dma_wait3A_147 = arith.constant 0 : i32
    %dma_wait3A_148 = tpu.memref_slice %arg2[%add3A_23, %dma_wait3A_143, %mul3A_39, %dma_wait3A_147] : memref<8x4x512x512xf32, #tpu.memory_space<hbm>> -> memref<1x1x16x512xf32, #tpu.memory_space<hbm>>
    %dma_wait3A_149 = tpu.memref_squeeze %dma_wait3A_148 : memref<1x1x16x512xf32, #tpu.memory_space<hbm>> -> memref<16x512xf32, #tpu.memory_space<hbm>>
    %dma_wait3A_150 = arith.constant 48 : i32
    %dma_wait3A_151 = arith.constant 0 : i32
    %dma_wait3A_152 = tpu.memref_slice %arg5[%dma_wait3A_150, %dma_wait3A_151] : memref<64x512xf32, #tpu.memory_space<vmem>> -> memref<16x512xf32, #tpu.memory_space<vmem>>
    %dma_wait3A_153 = arith.constant 0 : i32
    %dma_wait3A_154 = tpu.memref_slice %arg2[%add3A_23, %dma_wait3A_143, %mul3A_39, %dma_wait3A_153] : memref<8x4x512x512xf32, #tpu.memory_space<hbm>> -> memref<1x1x16x512xf32, #tpu.memory_space<hbm>>
    %dma_wait3A_155 = tpu.memref_squeeze %dma_wait3A_154 : memref<1x1x16x512xf32, #tpu.memory_space<hbm>> -> memref<16x512xf32, #tpu.memory_space<hbm>>
    tpu.wait_dma2 semaphore(%arg10 : memref<!tpu.dma_semaphore, #tpu.memory_space<semaphore_mem>>) src(%dma_wait3A_155 : memref<16x512xf32, #tpu.memory_space<hbm>>) dst(%dma_wait3A_152 : memref<16x512xf32, #tpu.memory_space<vmem>>)
    %parallel_loop3A = arith.constant 0 : i32
    %parallel_loop3A_156 = arith.constant 512 : i32
    %parallel_loop3A_157 = arith.constant 4 : i32
    %parallel_loop3A_158:4 = scf.for %parallel_loop3A_165 = %parallel_loop3A to %parallel_loop3A_156 step %parallel_loop3A_157 iter_args(%parallel_loop3A_166 = %broadcast_in_dim3A_1, %parallel_loop3A_167 = %broadcast_in_dim3A_1, %parallel_loop3A_168 = %broadcast_in_dim3A_1, %parallel_loop3A_169 = %broadcast_in_dim3A_1) -> (vector<16xf32>, vector<16xf32>, vector<16xf32>, vector<16xf32>)  : i32 {
      %parallel_loop3A_170 = arith.constant 0 : i32
      %parallel_loop3A_171 = arith.addi %parallel_loop3A_165, %parallel_loop3A_170 : i32
      %parallel_loop3A_172 = arith.constant 15 : i32
      %parallel_loop3A_173 = arith.andi %parallel_loop3A_171, %parallel_loop3A_172 : i32
      %parallel_loop3A_174 = arith.constant -16 : i32
      %parallel_loop3A_175 = arith.andi %parallel_loop3A_171, %parallel_loop3A_174 : i32
      %parallel_loop3A_176 = vector.broadcast %parallel_loop3A_175 : i32 to vector<16xi32>
      %parallel_loop3A_177 = arith.addi %iota3A, %parallel_loop3A_176 : vector<16xi32>
      %parallel_loop3A_178 = arith.index_cast %parallel_loop3A_173 : i32 to index
      %parallel_loop3A_179 = arith.index_cast %parallel_loop3A_175 : i32 to index
      %parallel_loop3A_180 = tpu.vector_load %arg7[%parallel_loop3A_178, %parallel_loop3A_179] {strides = array<i32>} : memref<16x512xi32, #tpu.memory_space<vmem>>, vector<16xi32>,
      %parallel_loop3A_181 = arith.constant 4 : i32
      %parallel_loop3A_182 = vector.broadcast %parallel_loop3A_181 : i32 to vector<16xi32>
      %parallel_loop3A_183 = arith.shli %parallel_loop3A_180, %parallel_loop3A_182 : vector<16xi32>
      %parallel_loop3A_184 = vector.broadcast %parallel_loop3A_173 : i32 to vector<16xi32>
      %parallel_loop3A_185 = arith.addi %parallel_loop3A_183, %parallel_loop3A_184 : vector<16xi32>
      %parallel_loop3A_186 = tpu.vector_load_idx %arg5[%parallel_loop3A_185, %parallel_loop3A_177] : memref<64x512xf32, #tpu.memory_space<vmem>>[vector<16xi32>, vector<16xi32>], vector<16xf32>,
      %parallel_loop3A_187 = arith.constant 9.99999993E-9 : f32
      %parallel_loop3A_188 = vector.broadcast %parallel_loop3A_187 : f32 to vector<16xf32>
      %parallel_loop3A_189 = arith.maximumf %parallel_loop3A_186, %parallel_loop3A_188 : vector<16xf32>
      %parallel_loop3A_190 = vector.bitcast %parallel_loop3A_189 : vector<16xf32> to vector<16xi32>
      %parallel_loop3A_191 = arith.constant 23 : i32
      %parallel_loop3A_192 = vector.broadcast %parallel_loop3A_191 : i32 to vector<16xi32>
      %parallel_loop3A_193 = arith.shrsi %parallel_loop3A_190, %parallel_loop3A_192 : vector<16xi32>
      %parallel_loop3A_194 = arith.sitofp %parallel_loop3A_193 : vector<16xi32> to vector<16xf32>
      %parallel_loop3A_195 = arith.constant 8388607 : i32
      %parallel_loop3A_196 = vector.broadcast %parallel_loop3A_195 : i32 to vector<16xi32>
      %parallel_loop3A_197 = arith.andi %parallel_loop3A_190, %parallel_loop3A_196 : vector<16xi32>
      %parallel_loop3A_198 = arith.constant 1065353216 : i32
      %parallel_loop3A_199 = vector.broadcast %parallel_loop3A_198 : i32 to vector<16xi32>
      %parallel_loop3A_200 = arith.ori %parallel_loop3A_197, %parallel_loop3A_199 : vector<16xi32>
      %parallel_loop3A_201 = vector.bitcast %parallel_loop3A_200 : vector<16xi32> to vector<16xf32>
      %parallel_loop3A_202 = arith.constant 1.000000e+00 : f32
      %parallel_loop3A_203 = vector.broadcast %parallel_loop3A_202 : f32 to vector<16xf32>
      %parallel_loop3A_204 = arith.subf %parallel_loop3A_201, %parallel_loop3A_203 : vector<16xf32>
      %parallel_loop3A_205 = arith.constant -0.0800108835 : f32
      %parallel_loop3A_206 = vector.broadcast %parallel_loop3A_205 : f32 to vector<16xf32>
      %parallel_loop3A_207 = arith.mulf %parallel_loop3A_206, %parallel_loop3A_204 : vector<16xf32>
      %parallel_loop3A_208 = arith.constant 0.315467596 : f32
      %parallel_loop3A_209 = vector.broadcast %parallel_loop3A_208 : f32 to vector<16xf32>
      %parallel_loop3A_210 = arith.addf %parallel_loop3A_207, %parallel_loop3A_209 : vector<16xf32>
      %parallel_loop3A_211 = arith.mulf %parallel_loop3A_210, %parallel_loop3A_204 : vector<16xf32>
      %parallel_loop3A_212 = arith.constant -0.672934175 : f32
      %parallel_loop3A_213 = vector.broadcast %parallel_loop3A_212 : f32 to vector<16xf32>
      %parallel_loop3A_214 = arith.addf %parallel_loop3A_211, %parallel_loop3A_213 : vector<16xf32>
      %parallel_loop3A_215 = arith.mulf %parallel_loop3A_214, %parallel_loop3A_204 : vector<16xf32>
      %parallel_loop3A_216 = arith.constant 1.43730211 : f32
      %parallel_loop3A_217 = vector.broadcast %parallel_loop3A_216 : f32 to vector<16xf32>
      %parallel_loop3A_218 = arith.addf %parallel_loop3A_215, %parallel_loop3A_217 : vector<16xf32>
      %parallel_loop3A_219 = arith.mulf %parallel_loop3A_218, %parallel_loop3A_204 : vector<16xf32>
      %parallel_loop3A_220 = arith.constant -126.999901 : f32
      %parallel_loop3A_221 = vector.broadcast %parallel_loop3A_220 : f32 to vector<16xf32>
      %parallel_loop3A_222 = arith.addf %parallel_loop3A_219, %parallel_loop3A_221 : vector<16xf32>
      %parallel_loop3A_223 = arith.addf %parallel_loop3A_194, %parallel_loop3A_222 : vector<16xf32>
      %parallel_loop3A_224 = arith.sitofp %parallel_loop3A_180 : vector<16xi32> to vector<16xf32>
      %parallel_loop3A_225 = arith.constant -2.073077E-8 : f32
      %parallel_loop3A_226 = vector.broadcast %parallel_loop3A_225 : f32 to vector<16xf32>
      %parallel_loop3A_227 = arith.mulf %parallel_loop3A_226, %parallel_loop3A_224 : vector<16xf32>
      %parallel_loop3A_228 = arith.constant 1.35363621E-7 : f32
      %parallel_loop3A_229 = vector.broadcast %parallel_loop3A_228 : f32 to vector<16xf32>
      %parallel_loop3A_230 = arith.addf %parallel_loop3A_227, %parallel_loop3A_229 : vector<16xf32>
      %parallel_loop3A_231 = arith.mulf %parallel_loop3A_230, %parallel_loop3A_224 : vector<16xf32>
      %parallel_loop3A_232 = arith.constant -2.64861853E-7 : f32
      %parallel_loop3A_233 = vector.broadcast %parallel_loop3A_232 : f32 to vector<16xf32>
      %parallel_loop3A_234 = arith.addf %parallel_loop3A_231, %parallel_loop3A_233 : vector<16xf32>
      %parallel_loop3A_235 = arith.mulf %parallel_loop3A_234, %parallel_loop3A_224 : vector<16xf32>
      %parallel_loop3A_236 = arith.constant -7.581950e-08 : f32
      %parallel_loop3A_237 = vector.broadcast %parallel_loop3A_236 : f32 to vector<16xf32>
      %parallel_loop3A_238 = arith.addf %parallel_loop3A_235, %parallel_loop3A_237 : vector<16xf32>
      %parallel_loop3A_239 = arith.mulf %parallel_loop3A_223, %parallel_loop3A_238 : vector<16xf32>
      %parallel_loop3A_240 = arith.addf %parallel_loop3A_166, %parallel_loop3A_239 : vector<16xf32>
      %parallel_loop3A_241 = arith.constant 1 : i32
      %parallel_loop3A_242 = arith.addi %parallel_loop3A_165, %parallel_loop3A_241 : i32
      %parallel_loop3A_243 = arith.constant 15 : i32
      %parallel_loop3A_244 = arith.andi %parallel_loop3A_242, %parallel_loop3A_243 : i32
      %parallel_loop3A_245 = arith.constant -16 : i32
      %parallel_loop3A_246 = arith.andi %parallel_loop3A_242, %parallel_loop3A_245 : i32
      %parallel_loop3A_247 = vector.broadcast %parallel_loop3A_246 : i32 to vector<16xi32>
      %parallel_loop3A_248 = arith.addi %iota3A, %parallel_loop3A_247 : vector<16xi32>
      %parallel_loop3A_249 = arith.index_cast %parallel_loop3A_244 : i32 to index
      %parallel_loop3A_250 = arith.index_cast %parallel_loop3A_246 : i32 to index
      %parallel_loop3A_251 = tpu.vector_load %arg7[%parallel_loop3A_249, %parallel_loop3A_250] {strides = array<i32>} : memref<16x512xi32, #tpu.memory_space<vmem>>, vector<16xi32>,
      %parallel_loop3A_252 = arith.constant 4 : i32
      %parallel_loop3A_253 = vector.broadcast %parallel_loop3A_252 : i32 to vector<16xi32>
      %parallel_loop3A_254 = arith.shli %parallel_loop3A_251, %parallel_loop3A_253 : vector<16xi32>
      %parallel_loop3A_255 = vector.broadcast %parallel_loop3A_244 : i32 to vector<16xi32>
      %parallel_loop3A_256 = arith.addi %parallel_loop3A_254, %parallel_loop3A_255 : vector<16xi32>
      %parallel_loop3A_257 = tpu.vector_load_idx %arg5[%parallel_loop3A_256, %parallel_loop3A_248] : memref<64x512xf32, #tpu.memory_space<vmem>>[vector<16xi32>, vector<16xi32>], vector<16xf32>,
      %parallel_loop3A_258 = arith.constant 9.99999993E-9 : f32
      %parallel_loop3A_259 = vector.broadcast %parallel_loop3A_258 : f32 to vector<16xf32>
      %parallel_loop3A_260 = arith.maximumf %parallel_loop3A_257, %parallel_loop3A_259 : vector<16xf32>
      %parallel_loop3A_261 = vector.bitcast %parallel_loop3A_260 : vector<16xf32> to vector<16xi32>
      %parallel_loop3A_262 = arith.constant 23 : i32
      %parallel_loop3A_263 = vector.broadcast %parallel_loop3A_262 : i32 to vector<16xi32>
      %parallel_loop3A_264 = arith.shrsi %parallel_loop3A_261, %parallel_loop3A_263 : vector<16xi32>
      %parallel_loop3A_265 = arith.sitofp %parallel_loop3A_264 : vector<16xi32> to vector<16xf32>
      %parallel_loop3A_266 = arith.constant 8388607 : i32
      %parallel_loop3A_267 = vector.broadcast %parallel_loop3A_266 : i32 to vector<16xi32>
      %parallel_loop3A_268 = arith.andi %parallel_loop3A_261, %parallel_loop3A_267 : vector<16xi32>
      %parallel_loop3A_269 = arith.constant 1065353216 : i32
      %parallel_loop3A_270 = vector.broadcast %parallel_loop3A_269 : i32 to vector<16xi32>
      %parallel_loop3A_271 = arith.ori %parallel_loop3A_268, %parallel_loop3A_270 : vector<16xi32>
      %parallel_loop3A_272 = vector.bitcast %parallel_loop3A_271 : vector<16xi32> to vector<16xf32>
      %parallel_loop3A_273 = arith.constant 1.000000e+00 : f32
      %parallel_loop3A_274 = vector.broadcast %parallel_loop3A_273 : f32 to vector<16xf32>
      %parallel_loop3A_275 = arith.subf %parallel_loop3A_272, %parallel_loop3A_274 : vector<16xf32>
      %parallel_loop3A_276 = arith.constant -0.0800108835 : f32
      %parallel_loop3A_277 = vector.broadcast %parallel_loop3A_276 : f32 to vector<16xf32>
      %parallel_loop3A_278 = arith.mulf %parallel_loop3A_277, %parallel_loop3A_275 : vector<16xf32>
      %parallel_loop3A_279 = arith.constant 0.315467596 : f32
      %parallel_loop3A_280 = vector.broadcast %parallel_loop3A_279 : f32 to vector<16xf32>
      %parallel_loop3A_281 = arith.addf %parallel_loop3A_278, %parallel_loop3A_280 : vector<16xf32>
      %parallel_loop3A_282 = arith.mulf %parallel_loop3A_281, %parallel_loop3A_275 : vector<16xf32>
      %parallel_loop3A_283 = arith.constant -0.672934175 : f32
      %parallel_loop3A_284 = vector.broadcast %parallel_loop3A_283 : f32 to vector<16xf32>
      %parallel_loop3A_285 = arith.addf %parallel_loop3A_282, %parallel_loop3A_284 : vector<16xf32>
      %parallel_loop3A_286 = arith.mulf %parallel_loop3A_285, %parallel_loop3A_275 : vector<16xf32>
      %parallel_loop3A_287 = arith.constant 1.43730211 : f32
      %parallel_loop3A_288 = vector.broadcast %parallel_loop3A_287 : f32 to vector<16xf32>
      %parallel_loop3A_289 = arith.addf %parallel_loop3A_286, %parallel_loop3A_288 : vector<16xf32>
      %parallel_loop3A_290 = arith.mulf %parallel_loop3A_289, %parallel_loop3A_275 : vector<16xf32>
      %parallel_loop3A_291 = arith.constant -126.999901 : f32
      %parallel_loop3A_292 = vector.broadcast %parallel_loop3A_291 : f32 to vector<16xf32>
      %parallel_loop3A_293 = arith.addf %parallel_loop3A_290, %parallel_loop3A_292 : vector<16xf32>
      %parallel_loop3A_294 = arith.addf %parallel_loop3A_265, %parallel_loop3A_293 : vector<16xf32>
      %parallel_loop3A_295 = arith.sitofp %parallel_loop3A_251 : vector<16xi32> to vector<16xf32>
      %parallel_loop3A_296 = arith.constant -2.073077E-8 : f32
      %parallel_loop3A_297 = vector.broadcast %parallel_loop3A_296 : f32 to vector<16xf32>
      %parallel_loop3A_298 = arith.mulf %parallel_loop3A_297, %parallel_loop3A_295 : vector<16xf32>
      %parallel_loop3A_299 = arith.constant 1.35363621E-7 : f32
      %parallel_loop3A_300 = vector.broadcast %parallel_loop3A_299 : f32 to vector<16xf32>
      %parallel_loop3A_301 = arith.addf %parallel_loop3A_298, %parallel_loop3A_300 : vector<16xf32>
      %parallel_loop3A_302 = arith.mulf %parallel_loop3A_301, %parallel_loop3A_295 : vector<16xf32>
      %parallel_loop3A_303 = arith.constant -2.64861853E-7 : f32
      %parallel_loop3A_304 = vector.broadcast %parallel_loop3A_303 : f32 to vector<16xf32>
      %parallel_loop3A_305 = arith.addf %parallel_loop3A_302, %parallel_loop3A_304 : vector<16xf32>
      %parallel_loop3A_306 = arith.mulf %parallel_loop3A_305, %parallel_loop3A_295 : vector<16xf32>
      %parallel_loop3A_307 = arith.constant -7.581950e-08 : f32
      %parallel_loop3A_308 = vector.broadcast %parallel_loop3A_307 : f32 to vector<16xf32>
      %parallel_loop3A_309 = arith.addf %parallel_loop3A_306, %parallel_loop3A_308 : vector<16xf32>
      %parallel_loop3A_310 = arith.mulf %parallel_loop3A_294, %parallel_loop3A_309 : vector<16xf32>
      %parallel_loop3A_311 = arith.addf %parallel_loop3A_167, %parallel_loop3A_310 : vector<16xf32>
      %parallel_loop3A_312 = arith.constant 2 : i32
      %parallel_loop3A_313 = arith.addi %parallel_loop3A_165, %parallel_loop3A_312 : i32
      %parallel_loop3A_314 = arith.constant 15 : i32
      %parallel_loop3A_315 = arith.andi %parallel_loop3A_313, %parallel_loop3A_314 : i32
      %parallel_loop3A_316 = arith.constant -16 : i32
      %parallel_loop3A_317 = arith.andi %parallel_loop3A_313, %parallel_loop3A_316 : i32
      %parallel_loop3A_318 = vector.broadcast %parallel_loop3A_317 : i32 to vector<16xi32>
      %parallel_loop3A_319 = arith.addi %iota3A, %parallel_loop3A_318 : vector<16xi32>
      %parallel_loop3A_320 = arith.index_cast %parallel_loop3A_315 : i32 to index
      %parallel_loop3A_321 = arith.index_cast %parallel_loop3A_317 : i32 to index
      %parallel_loop3A_322 = tpu.vector_load %arg7[%parallel_loop3A_320, %parallel_loop3A_321] {strides = array<i32>} : memref<16x512xi32, #tpu.memory_space<vmem>>, vector<16xi32>,
      %parallel_loop3A_323 = arith.constant 4 : i32
      %parallel_loop3A_324 = vector.broadcast %parallel_loop3A_323 : i32 to vector<16xi32>
      %parallel_loop3A_325 = arith.shli %parallel_loop3A_322, %parallel_loop3A_324 : vector<16xi32>
      %parallel_loop3A_326 = vector.broadcast %parallel_loop3A_315 : i32 to vector<16xi32>
      %parallel_loop3A_327 = arith.addi %parallel_loop3A_325, %parallel_loop3A_326 : vector<16xi32>
      %parallel_loop3A_328 = tpu.vector_load_idx %arg5[%parallel_loop3A_327, %parallel_loop3A_319] : memref<64x512xf32, #tpu.memory_space<vmem>>[vector<16xi32>, vector<16xi32>], vector<16xf32>,
      %parallel_loop3A_329 = arith.constant 9.99999993E-9 : f32
      %parallel_loop3A_330 = vector.broadcast %parallel_loop3A_329 : f32 to vector<16xf32>
      %parallel_loop3A_331 = arith.maximumf %parallel_loop3A_328, %parallel_loop3A_330 : vector<16xf32>
      %parallel_loop3A_332 = vector.bitcast %parallel_loop3A_331 : vector<16xf32> to vector<16xi32>
      %parallel_loop3A_333 = arith.constant 23 : i32
      %parallel_loop3A_334 = vector.broadcast %parallel_loop3A_333 : i32 to vector<16xi32>
      %parallel_loop3A_335 = arith.shrsi %parallel_loop3A_332, %parallel_loop3A_334 : vector<16xi32>
      %parallel_loop3A_336 = arith.sitofp %parallel_loop3A_335 : vector<16xi32> to vector<16xf32>
      %parallel_loop3A_337 = arith.constant 8388607 : i32
      %parallel_loop3A_338 = vector.broadcast %parallel_loop3A_337 : i32 to vector<16xi32>
      %parallel_loop3A_339 = arith.andi %parallel_loop3A_332, %parallel_loop3A_338 : vector<16xi32>
      %parallel_loop3A_340 = arith.constant 1065353216 : i32
      %parallel_loop3A_341 = vector.broadcast %parallel_loop3A_340 : i32 to vector<16xi32>
      %parallel_loop3A_342 = arith.ori %parallel_loop3A_339, %parallel_loop3A_341 : vector<16xi32>
      %parallel_loop3A_343 = vector.bitcast %parallel_loop3A_342 : vector<16xi32> to vector<16xf32>
      %parallel_loop3A_344 = arith.constant 1.000000e+00 : f32
      %parallel_loop3A_345 = vector.broadcast %parallel_loop3A_344 : f32 to vector<16xf32>
      %parallel_loop3A_346 = arith.subf %parallel_loop3A_343, %parallel_loop3A_345 : vector<16xf32>
      %parallel_loop3A_347 = arith.constant -0.0800108835 : f32
      %parallel_loop3A_348 = vector.broadcast %parallel_loop3A_347 : f32 to vector<16xf32>
      %parallel_loop3A_349 = arith.mulf %parallel_loop3A_348, %parallel_loop3A_346 : vector<16xf32>
      %parallel_loop3A_350 = arith.constant 0.315467596 : f32
      %parallel_loop3A_351 = vector.broadcast %parallel_loop3A_350 : f32 to vector<16xf32>
      %parallel_loop3A_352 = arith.addf %parallel_loop3A_349, %parallel_loop3A_351 : vector<16xf32>
      %parallel_loop3A_353 = arith.mulf %parallel_loop3A_352, %parallel_loop3A_346 : vector<16xf32>
      %parallel_loop3A_354 = arith.constant -0.672934175 : f32
      %parallel_loop3A_355 = vector.broadcast %parallel_loop3A_354 : f32 to vector<16xf32>
      %parallel_loop3A_356 = arith.addf %parallel_loop3A_353, %parallel_loop3A_355 : vector<16xf32>
      %parallel_loop3A_357 = arith.mulf %parallel_loop3A_356, %parallel_loop3A_346 : vector<16xf32>
      %parallel_loop3A_358 = arith.constant 1.43730211 : f32
      %parallel_loop3A_359 = vector.broadcast %parallel_loop3A_358 : f32 to vector<16xf32>
      %parallel_loop3A_360 = arith.addf %parallel_loop3A_357, %parallel_loop3A_359 : vector<16xf32>
      %parallel_loop3A_361 = arith.mulf %parallel_loop3A_360, %parallel_loop3A_346 : vector<16xf32>
      %parallel_loop3A_362 = arith.constant -126.999901 : f32
      %parallel_loop3A_363 = vector.broadcast %parallel_loop3A_362 : f32 to vector<16xf32>
      %parallel_loop3A_364 = arith.addf %parallel_loop3A_361, %parallel_loop3A_363 : vector<16xf32>
      %parallel_loop3A_365 = arith.addf %parallel_loop3A_336, %parallel_loop3A_364 : vector<16xf32>
      %parallel_loop3A_366 = arith.sitofp %parallel_loop3A_322 : vector<16xi32> to vector<16xf32>
      %parallel_loop3A_367 = arith.constant -2.073077E-8 : f32
      %parallel_loop3A_368 = vector.broadcast %parallel_loop3A_367 : f32 to vector<16xf32>
      %parallel_loop3A_369 = arith.mulf %parallel_loop3A_368, %parallel_loop3A_366 : vector<16xf32>
      %parallel_loop3A_370 = arith.constant 1.35363621E-7 : f32
      %parallel_loop3A_371 = vector.broadcast %parallel_loop3A_370 : f32 to vector<16xf32>
      %parallel_loop3A_372 = arith.addf %parallel_loop3A_369, %parallel_loop3A_371 : vector<16xf32>
      %parallel_loop3A_373 = arith.mulf %parallel_loop3A_372, %parallel_loop3A_366 : vector<16xf32>
      %parallel_loop3A_374 = arith.constant -2.64861853E-7 : f32
      %parallel_loop3A_375 = vector.broadcast %parallel_loop3A_374 : f32 to vector<16xf32>
      %parallel_loop3A_376 = arith.addf %parallel_loop3A_373, %parallel_loop3A_375 : vector<16xf32>
      %parallel_loop3A_377 = arith.mulf %parallel_loop3A_376, %parallel_loop3A_366 : vector<16xf32>
      %parallel_loop3A_378 = arith.constant -7.581950e-08 : f32
      %parallel_loop3A_379 = vector.broadcast %parallel_loop3A_378 : f32 to vector<16xf32>
      %parallel_loop3A_380 = arith.addf %parallel_loop3A_377, %parallel_loop3A_379 : vector<16xf32>
      %parallel_loop3A_381 = arith.mulf %parallel_loop3A_365, %parallel_loop3A_380 : vector<16xf32>
      %parallel_loop3A_382 = arith.addf %parallel_loop3A_168, %parallel_loop3A_381 : vector<16xf32>
      %parallel_loop3A_383 = arith.constant 3 : i32
      %parallel_loop3A_384 = arith.addi %parallel_loop3A_165, %parallel_loop3A_383 : i32
      %parallel_loop3A_385 = arith.constant 15 : i32
      %parallel_loop3A_386 = arith.andi %parallel_loop3A_384, %parallel_loop3A_385 : i32
      %parallel_loop3A_387 = arith.constant -16 : i32
      %parallel_loop3A_388 = arith.andi %parallel_loop3A_384, %parallel_loop3A_387 : i32
      %parallel_loop3A_389 = vector.broadcast %parallel_loop3A_388 : i32 to vector<16xi32>
      %parallel_loop3A_390 = arith.addi %iota3A, %parallel_loop3A_389 : vector<16xi32>
      %parallel_loop3A_391 = arith.index_cast %parallel_loop3A_386 : i32 to index
      %parallel_loop3A_392 = arith.index_cast %parallel_loop3A_388 : i32 to index
      %parallel_loop3A_393 = tpu.vector_load %arg7[%parallel_loop3A_391, %parallel_loop3A_392] {strides = array<i32>} : memref<16x512xi32, #tpu.memory_space<vmem>>, vector<16xi32>,
      %parallel_loop3A_394 = arith.constant 4 : i32
      %parallel_loop3A_395 = vector.broadcast %parallel_loop3A_394 : i32 to vector<16xi32>
      %parallel_loop3A_396 = arith.shli %parallel_loop3A_393, %parallel_loop3A_395 : vector<16xi32>
      %parallel_loop3A_397 = vector.broadcast %parallel_loop3A_386 : i32 to vector<16xi32>
      %parallel_loop3A_398 = arith.addi %parallel_loop3A_396, %parallel_loop3A_397 : vector<16xi32>
      %parallel_loop3A_399 = tpu.vector_load_idx %arg5[%parallel_loop3A_398, %parallel_loop3A_390] : memref<64x512xf32, #tpu.memory_space<vmem>>[vector<16xi32>, vector<16xi32>], vector<16xf32>,
      %parallel_loop3A_400 = arith.constant 9.99999993E-9 : f32
      %parallel_loop3A_401 = vector.broadcast %parallel_loop3A_400 : f32 to vector<16xf32>
      %parallel_loop3A_402 = arith.maximumf %parallel_loop3A_399, %parallel_loop3A_401 : vector<16xf32>
      %parallel_loop3A_403 = vector.bitcast %parallel_loop3A_402 : vector<16xf32> to vector<16xi32>
      %parallel_loop3A_404 = arith.constant 23 : i32
      %parallel_loop3A_405 = vector.broadcast %parallel_loop3A_404 : i32 to vector<16xi32>
      %parallel_loop3A_406 = arith.shrsi %parallel_loop3A_403, %parallel_loop3A_405 : vector<16xi32>
      %parallel_loop3A_407 = arith.sitofp %parallel_loop3A_406 : vector<16xi32> to vector<16xf32>
      %parallel_loop3A_408 = arith.constant 8388607 : i32
      %parallel_loop3A_409 = vector.broadcast %parallel_loop3A_408 : i32 to vector<16xi32>
      %parallel_loop3A_410 = arith.andi %parallel_loop3A_403, %parallel_loop3A_409 : vector<16xi32>
      %parallel_loop3A_411 = arith.constant 1065353216 : i32
      %parallel_loop3A_412 = vector.broadcast %parallel_loop3A_411 : i32 to vector<16xi32>
      %parallel_loop3A_413 = arith.ori %parallel_loop3A_410, %parallel_loop3A_412 : vector<16xi32>
      %parallel_loop3A_414 = vector.bitcast %parallel_loop3A_413 : vector<16xi32> to vector<16xf32>
      %parallel_loop3A_415 = arith.constant 1.000000e+00 : f32
      %parallel_loop3A_416 = vector.broadcast %parallel_loop3A_415 : f32 to vector<16xf32>
      %parallel_loop3A_417 = arith.subf %parallel_loop3A_414, %parallel_loop3A_416 : vector<16xf32>
      %parallel_loop3A_418 = arith.constant -0.0800108835 : f32
      %parallel_loop3A_419 = vector.broadcast %parallel_loop3A_418 : f32 to vector<16xf32>
      %parallel_loop3A_420 = arith.mulf %parallel_loop3A_419, %parallel_loop3A_417 : vector<16xf32>
      %parallel_loop3A_421 = arith.constant 0.315467596 : f32
      %parallel_loop3A_422 = vector.broadcast %parallel_loop3A_421 : f32 to vector<16xf32>
      %parallel_loop3A_423 = arith.addf %parallel_loop3A_420, %parallel_loop3A_422 : vector<16xf32>
      %parallel_loop3A_424 = arith.mulf %parallel_loop3A_423, %parallel_loop3A_417 : vector<16xf32>
      %parallel_loop3A_425 = arith.constant -0.672934175 : f32
      %parallel_loop3A_426 = vector.broadcast %parallel_loop3A_425 : f32 to vector<16xf32>
      %parallel_loop3A_427 = arith.addf %parallel_loop3A_424, %parallel_loop3A_426 : vector<16xf32>
      %parallel_loop3A_428 = arith.mulf %parallel_loop3A_427, %parallel_loop3A_417 : vector<16xf32>
      %parallel_loop3A_429 = arith.constant 1.43730211 : f32
      %parallel_loop3A_430 = vector.broadcast %parallel_loop3A_429 : f32 to vector<16xf32>
      %parallel_loop3A_431 = arith.addf %parallel_loop3A_428, %parallel_loop3A_430 : vector<16xf32>
      %parallel_loop3A_432 = arith.mulf %parallel_loop3A_431, %parallel_loop3A_417 : vector<16xf32>
      %parallel_loop3A_433 = arith.constant -126.999901 : f32
      %parallel_loop3A_434 = vector.broadcast %parallel_loop3A_433 : f32 to vector<16xf32>
      %parallel_loop3A_435 = arith.addf %parallel_loop3A_432, %parallel_loop3A_434 : vector<16xf32>
      %parallel_loop3A_436 = arith.addf %parallel_loop3A_407, %parallel_loop3A_435 : vector<16xf32>
      %parallel_loop3A_437 = arith.sitofp %parallel_loop3A_393 : vector<16xi32> to vector<16xf32>
      %parallel_loop3A_438 = arith.constant -2.073077E-8 : f32
      %parallel_loop3A_439 = vector.broadcast %parallel_loop3A_438 : f32 to vector<16xf32>
      %parallel_loop3A_440 = arith.mulf %parallel_loop3A_439, %parallel_loop3A_437 : vector<16xf32>
      %parallel_loop3A_441 = arith.constant 1.35363621E-7 : f32
      %parallel_loop3A_442 = vector.broadcast %parallel_loop3A_441 : f32 to vector<16xf32>
      %parallel_loop3A_443 = arith.addf %parallel_loop3A_440, %parallel_loop3A_442 : vector<16xf32>
      %parallel_loop3A_444 = arith.mulf %parallel_loop3A_443, %parallel_loop3A_437 : vector<16xf32>
      %parallel_loop3A_445 = arith.constant -2.64861853E-7 : f32
      %parallel_loop3A_446 = vector.broadcast %parallel_loop3A_445 : f32 to vector<16xf32>
      %parallel_loop3A_447 = arith.addf %parallel_loop3A_444, %parallel_loop3A_446 : vector<16xf32>
      %parallel_loop3A_448 = arith.mulf %parallel_loop3A_447, %parallel_loop3A_437 : vector<16xf32>
      %parallel_loop3A_449 = arith.constant -7.581950e-08 : f32
      %parallel_loop3A_450 = vector.broadcast %parallel_loop3A_449 : f32 to vector<16xf32>
      %parallel_loop3A_451 = arith.addf %parallel_loop3A_448, %parallel_loop3A_450 : vector<16xf32>
      %parallel_loop3A_452 = arith.mulf %parallel_loop3A_436, %parallel_loop3A_451 : vector<16xf32>
      %parallel_loop3A_453 = arith.addf %parallel_loop3A_169, %parallel_loop3A_452 : vector<16xf32>
      scf.yield %parallel_loop3A_240, %parallel_loop3A_311, %parallel_loop3A_382, %parallel_loop3A_453 : vector<16xf32>, vector<16xf32>, vector<16xf32>, vector<16xf32>
    } {sc.loop_unroll_factor = 1 : i64, sc.parallel_access}
    %add3A_159 = arith.addf %parallel_loop3A_158#0, %parallel_loop3A_158#1 : vector<16xf32>
    %add3A_160 = arith.addf %parallel_loop3A_158#2, %parallel_loop3A_158#3 : vector<16xf32>
    %add3A_161 = arith.addf %add3A_159, %add3A_160 : vector<16xf32>
    %swap3A = arith.constant 0 : index
    %swap3A_162 = tpu.vector_load %arg9[%swap3A] {strides = array<i32>} : memref<16xf32, #tpu.memory_space<vmem>>, vector<16xf32>,
    tpu.vector_store %arg9[%swap3A], %add3A_161 {strides = array<i32>} : memref<16xf32, #tpu.memory_space<vmem>>, vector<16xf32>,
    %mul3A_163 = arith.constant 16 : i32
    %mul3A_164 = arith.muli %add3A, %mul3A_163 : i32
    "tpu.region"() ({
      %run_scoped3A = tpu.sem_alloc : memref<!tpu.dma_semaphore, #tpu.memory_space<semaphore_mem>>
      %dma_start3A_165 = tpu.memref_slice %arg4[%mul3A_164] : memref<512xf32, #tpu.memory_space<hbm>> -> memref<16xf32, #tpu.memory_space<hbm>>
      %dma_start3A_166 = tpu.memref_slice %arg4[%mul3A_164] : memref<512xf32, #tpu.memory_space<hbm>> -> memref<16xf32, #tpu.memory_space<hbm>>
      tpu.enqueue_dma source(%arg9 : memref<16xf32, #tpu.memory_space<vmem>>) target(%dma_start3A_166 : memref<16xf32, #tpu.memory_space<hbm>>) target_semaphore(%run_scoped3A : memref<!tpu.dma_semaphore, #tpu.memory_space<semaphore_mem>>)
      %dma_wait3A_167 = tpu.memref_slice %arg4[%mul3A_164] : memref<512xf32, #tpu.memory_space<hbm>> -> memref<16xf32, #tpu.memory_space<hbm>>
      %dma_wait3A_168 = tpu.memref_slice %arg4[%mul3A_164] : memref<512xf32, #tpu.memory_space<hbm>> -> memref<16xf32, #tpu.memory_space<hbm>>
      tpu.wait_dma2 semaphore(%run_scoped3A : memref<!tpu.dma_semaphore, #tpu.memory_space<semaphore_mem>>) src(%arg9 : memref<16xf32, #tpu.memory_space<vmem>>) dst(%dma_wait3A_168 : memref<16xf32, #tpu.memory_space<hbm>>)
      tpu.yield
    }) : () -> ()
    return
  }
}

module attributes {stable_mosaic.version = 14 : i64} {
  func.func @_tc_body(%arg0: i32, %arg1: i32, %arg2: memref<1x4x256x512xf32, #tpu.memory_space<vmem>>, %arg3: memref<1x1x256x512xi32, #tpu.memory_space<vmem>>, %arg4: memref<1x1x8x512xf32, #tpu.memory_space<vmem>>) attributes {dimension_semantics = [#tpu.dimension_semantics<arbitrary>, #tpu.dimension_semantics<arbitrary>], iteration_bounds = array<i64: 7, 2>, scalar_prefetch = 0 : i64, scratch_operands = 0 : i64, tpu.core_type = #tpu.core_type<tc>, window_params = [{transform_indices = @transform_0, window_bounds = array<i64: 1, 4, 256, 512>}, {transform_indices = @transform_1, window_bounds = array<i64: 1, 1, 256, 512>}, {transform_indices = @transform_2, window_bounds = array<i64: 1, 1, 8, 512>}]} {
    %get3A = arith.constant 0 : index
    %get3A_0 = arith.constant 0 : index
    %get3A_1 = arith.constant 0 : index
    %get3A_2 = arith.constant 0 : index
    %get3A_3 = vector.load %arg2[%get3A, %get3A_0, %get3A_1, %get3A_2] : memref<1x4x256x512xf32, #tpu.memory_space<vmem>>, vector<1x4x256x512xf32>
    %get3A_4 = vector.shape_cast %get3A_3 : vector<1x4x256x512xf32> to vector<4x256x512xf32>
    %get3A_5 = arith.constant 0 : index
    %get3A_6 = arith.constant 0 : index
    %get3A_7 = arith.constant 0 : index
    %get3A_8 = arith.constant 0 : index
    %get3A_9 = vector.load %arg3[%get3A_5, %get3A_6, %get3A_7, %get3A_8] : memref<1x1x256x512xi32, #tpu.memory_space<vmem>>, vector<1x1x256x512xi32>
    %get3A_10 = vector.shape_cast %get3A_9 : vector<1x1x256x512xi32> to vector<256x512xi32>
    %eq3A = arith.constant 1 : i32
    %eq3A_11 = vector.broadcast %eq3A : i32 to vector<256x512xi32>
    %eq3A_12 = arith.cmpi eq, %get3A_10, %eq3A_11 : vector<256x512xi32>
    %eq3A_13 = arith.constant 2 : i32
    %eq3A_14 = vector.broadcast %eq3A_13 : i32 to vector<256x512xi32>
    %eq3A_15 = arith.cmpi eq, %get3A_10, %eq3A_14 : vector<256x512xi32>
    %eq3A_16 = arith.constant 3 : i32
    %eq3A_17 = vector.broadcast %eq3A_16 : i32 to vector<256x512xi32>
    %eq3A_18 = arith.cmpi eq, %get3A_10, %eq3A_17 : vector<256x512xi32>
    %slice3A = vector.extract_strided_slice %get3A_4 {offsets = [1, 0, 0], sizes = [1, 256, 512], strides = [1, 1, 1]} : vector<4x256x512xf32> to vector<1x256x512xf32>
    %squeeze3A = vector.shape_cast %slice3A : vector<1x256x512xf32> to vector<256x512xf32>
    %slice3A_19 = vector.extract_strided_slice %get3A_4 {offsets = [0, 0, 0], sizes = [1, 256, 512], strides = [1, 1, 1]} : vector<4x256x512xf32> to vector<1x256x512xf32>
    %squeeze3A_20 = vector.shape_cast %slice3A_19 : vector<1x256x512xf32> to vector<256x512xf32>
    %select_n3A = arith.select %eq3A_12, %squeeze3A, %squeeze3A_20 : vector<256x512xi1>, vector<256x512xf32>
    %slice3A_21 = vector.extract_strided_slice %get3A_4 {offsets = [2, 0, 0], sizes = [1, 256, 512], strides = [1, 1, 1]} : vector<4x256x512xf32> to vector<1x256x512xf32>
    %squeeze3A_22 = vector.shape_cast %slice3A_21 : vector<1x256x512xf32> to vector<256x512xf32>
    %select_n3A_23 = arith.select %eq3A_15, %squeeze3A_22, %select_n3A : vector<256x512xi1>, vector<256x512xf32>
    %slice3A_24 = vector.extract_strided_slice %get3A_4 {offsets = [3, 0, 0], sizes = [1, 256, 512], strides = [1, 1, 1]} : vector<4x256x512xf32> to vector<1x256x512xf32>
    %squeeze3A_25 = vector.shape_cast %slice3A_24 : vector<1x256x512xf32> to vector<256x512xf32>
    %select_n3A_26 = arith.select %eq3A_18, %squeeze3A_25, %select_n3A_23 : vector<256x512xi1>, vector<256x512xf32>
    %max3A = arith.constant 9.99999993E-9 : f32
    %max3A_27 = vector.broadcast %max3A : f32 to vector<256x512xf32>
    %max3A_28 = arith.maximumf %select_n3A_26, %max3A_27 : vector<256x512xf32>
    %min3A = arith.constant 1.000000e+00 : f32
    %min3A_29 = vector.broadcast %min3A : f32 to vector<256x512xf32>
    %min3A_30 = arith.minimumf %max3A_28, %min3A_29 : vector<256x512xf32>
    %jit3A = arith.constant 0.911894977 : f32
    %jit3A_31 = arith.constant 3.058610e-01 : f32
    %broadcast_in_dim3A = vector.broadcast %jit3A : f32 to vector<256x512xf32>
    %broadcast_in_dim3A_32 = vector.broadcast %jit3A_31 : f32 to vector<256x512xf32>
    %select_n3A_33 = arith.select %eq3A_12, %broadcast_in_dim3A, %broadcast_in_dim3A_32 : vector<256x512xi1>, vector<256x512xf32>
    %jit3A_34 = arith.constant 9.275730e-01 : f32
    %broadcast_in_dim3A_35 = vector.broadcast %jit3A_34 : f32 to vector<256x512xf32>
    %select_n3A_36 = arith.select %eq3A_15, %broadcast_in_dim3A_35, %select_n3A_33 : vector<256x512xi1>, vector<256x512xf32>
    %jit3A_37 = arith.constant 8.546710e-01 : f32
    %broadcast_in_dim3A_38 = vector.broadcast %jit3A_37 : f32 to vector<256x512xf32>
    %select_n3A_39 = arith.select %eq3A_18, %broadcast_in_dim3A_38, %select_n3A_36 : vector<256x512xi1>, vector<256x512xf32>
    %log3A = math.log %min3A_30 : vector<256x512xf32>
    %mul3A = arith.mulf %log3A, %select_n3A_39 : vector<256x512xf32>
    %reshape3A = vector.shape_cast %mul3A : vector<256x512xf32> to vector<32x8x512xf32>
    %reduce_sum3A = arith.constant dense<0.000000e+00> : vector<8x512xf32>
    %reduce_sum3A_40 = vector.multi_reduction <add>, %reshape3A, %reduce_sum3A [0] : vector<32x8x512xf32> to vector<8x512xf32>
    %mul3A_41 = arith.constant -3.57627869E-7 : f32
    %mul3A_42 = vector.broadcast %mul3A_41 : f32 to vector<8x512xf32>
    %mul3A_43 = arith.mulf %reduce_sum3A_40, %mul3A_42 : vector<8x512xf32>
    %swap3A = arith.constant 0 : index
    %swap3A_44 = arith.constant 0 : index
    %swap3A_45 = arith.constant 0 : index
    %swap3A_46 = arith.constant 0 : index
    %swap3A_47 = vector.load %arg4[%swap3A, %swap3A_44, %swap3A_45, %swap3A_46] : memref<1x1x8x512xf32, #tpu.memory_space<vmem>>, vector<1x1x8x512xf32>
    %swap3A_48 = vector.shape_cast %swap3A_47 : vector<1x1x8x512xf32> to vector<8x512xf32>
    %swap3A_49 = vector.shape_cast %mul3A_43 : vector<8x512xf32> to vector<1x1x8x512xf32>
    tpu.vector_store %arg4[%swap3A, %swap3A_44, %swap3A_45, %swap3A_46], %swap3A_49 {strides = array<i32>} : memref<1x1x8x512xf32, #tpu.memory_space<vmem>>, vector<1x1x8x512xf32>,
    return
  }
  func.func @transform_0(%arg0: i32, %arg1: i32) -> (i32, i32, i32, i32) {
    %c0_i32 = arith.constant 0 : i32
    %c0_i32_0 = arith.constant 0 : i32
    %c0_i32_1 = arith.constant 0 : i32
    return %arg0, %c0_i32, %arg1, %c0_i32_0 : i32, i32, i32, i32
  }
  func.func @transform_1(%arg0: i32, %arg1: i32) -> (i32, i32, i32, i32) {
    %c0_i32 = arith.constant 0 : i32
    %c0_i32_0 = arith.constant 0 : i32
    %c0_i32_1 = arith.constant 0 : i32
    return %arg0, %c0_i32, %arg1, %c0_i32_0 : i32, i32, i32, i32
  }
  func.func @transform_2(%arg0: i32, %arg1: i32) -> (i32, i32, i32, i32) {
    %c0_i32 = arith.constant 0 : i32
    %c0_i32_0 = arith.constant 0 : i32
    %c0_i32_1 = arith.constant 0 : i32
    return %arg0, %arg1, %c0_i32, %c0_i32_0 : i32, i32, i32, i32
  }
}

</mosaic_0001>

<sc_bundles>
// kernel: kernel.4.cloned.1.call-start
scs
__scs_entry_jumppad:
0x0: {  	(pc) =	sbr.rel $0x88, $3  }
0x1: {  	(tag) =	ssettag $0x0;
	lr =	simm.s32 $0x1  }
0x2: {  	[smem:$0x3F9F] =	sst lr;
	_ =	strace $0xD0000000  }
0x3: {  	_ = 	snop  }
0x4: {  	_ = 	snop  }
0x5: {  	_ = 	snop  }
0x6: {  	_ = 	snop  }
0x7: {  	_ = 	snop  }
__scs_overlays_trampoline_lowered:
0x8: {  	[smem:$0x3FAE] =	sst s0  }
0x9: {  	[smem:$0x3FAF] =	sst s1  }
0xa: {  	[smem:$0x3FB0] =	sst s2  }
0xb: {  	[smem:$0x3FB1] =	sst s3  }
0xc: {  	[smem:$0x3FB2] =	sst s4  }
0xd: {  	[smem:$0x3FB3] =	sst s5  }
0xe: {  	[smem:$0x3FB4] =	sst s6  }
0xf: {  	[smem:$0x3FB5] =	sst s7  }
0x10: {  	[smem:$0x3FB6] =	sst s8  }
0x11: {  	[smem:$0x3FB7] =	sst s9;
	s0 =	simm.s32 @!p0 $0x0  }
0x12: {  	s1 =	sld [smem:$0x3F9D];
	s0 =	simm.s32 @p0 $0x1  }
0x13: {  	[smem:$0x3FB8] =	sst s0;
	s0 =	simm.s32 @!p1 $0x0  }
0x14: {  	s2 =	sld [smem:$0x3F9C];
	s0 =	simm.s32 @p1 $0x1  }
0x15: {  	[smem:$0x3FB9] =	sst s0;
	s0 =	simm.s32 @!p2 $0x0  }
0x16: {  	s3 =	sld [smem:$0x3FDB];
	s0 =	simm.s32 @p2 $0x1  }
0x17: {  	s4 =	simm.s32 $0x1BF5;
	[smem:$0x3FBB] =	sst s0  }
0x18: {  	s0 =	sld [smem:$0x3F9E];
	_ =	swait.ge [sflag:s4], $0x0  }
0x19: {  	s7 =	sld [smem:$0x3F9F]  }
0x1a: {  	s8 =	sadd.s32 $0xFFFFE003, lr  }
0x1b: {  	s9 =	sadd.s32 $0xFFFFFEF7, lr;
	s5 =	simm.s32 $0xFFFFFFFF;
	p2 =	slt.u32 s8, $0xFFFFF086  }
0x1c: {  	p1 =	slt.u32 s9, $0xF7A;
	s5 =	simm.s32 @!p2 $0x0  }
0x1d: {  	s5 =	simm.s32 @p1 $0x1;
	p0 =	seq.s32 s7, s2  }
0x1e: {  	s7 =	smul.u32 @!p0 $0xF7A, s2;
	p2 =	seq.s32 @!p0 s5, $0x0  }
0x1f: {  	s9 =	smul.u32 $0xF7A, s1;
	s8 =	simm.s32 @!p0 $0x1BF5;
	p2 =	por !p2, p0  }
0x20: {  	[sflag:s8] =	ssyncset.s32 @!p0 $0xFFFFF086;
	s6 =	sadd.s32 @!p0 s3, s7;
	s7 =	simm.s32 @!p0 $0x108  }
0x21: {  	s3 =	sadd.s32 s3, s9;
	s6 =	sadd.s32 @!p0 $0x88, s6;
	s7 =	simm.s32 @p2 $0x1082  }
0x22: {  	[simem:s7], [sflag:s8] =	dma.local @!p0 [hbm:s6], $0xF7A  }
0x23: {  	s9 =	sor.u32 $0xD0000000, s2;
	s6 =	simm.s32 $0x108;
	_ =	swait.ge @!p0 [sflag:s8], $0x0  }
0x24: {  	s3 =	sadd.s32 $0x88, s3;
	s6 =	simm.s32 @!p1 $0x1082;
	[sflag:s4] =	ssyncset.s32 $0xFFFFF086  }
0x25: {  	[simem:s6], [sflag:s4] =	dma.local [hbm:s3], $0xF7A  }
0x26: {  	[smem:$0x3F9F] =	sst s1;
	(tag) =	ssettag s2;
	_ =	strace s9  }
0x27: {  	s1 =	sld [smem:$0x3FAF]  }
0x28: {  	s2 =	sld [smem:$0x3FB0]  }
0x29: {  	s4 =	sld [smem:$0x3FB2]  }
0x2a: {  	p0 =	seq.s32 s5, $0x0;
	s5 =	sld [smem:$0x3FB3]  }
0x2b: {  	s6 =	sld [smem:$0x3FB4]  }
0x2c: {  	s7 =	sld [smem:$0x3FB5]  }
0x2d: {  	s3 =	simm.s32 $0x108;
	s8 =	sld [smem:$0x3FB6]  }
0x2e: {  	s3 =	simm.s32 @!p0 $0x1082;
	s9 =	sld [smem:$0x3FB7]  }
0x2f: {  	lr =	sadd.s32 s0, s3;
	s0 =	sld [smem:$0x3FAE]  }
0x30: {  	s3 =	sld [smem:$0x3FB1]  }
0x31: {  	[smem:$0x3FBA] =	sst s10  }
0x32: {  	s10 =	sld [smem:$0x3FB8];
	_ =	sdelay $0x3  }
0x33: {  	p0 =	seq.s32 s10, $0x1;
	s10 =	sld [smem:$0x3FBA];
	_ =	sdelay $0x3  }
0x34: {  	[smem:$0x3FBA] =	sst s10  }
0x35: {  	s10 =	sld [smem:$0x3FB9];
	_ =	sdelay $0x3  }
0x36: {  	p1 =	seq.s32 s10, $0x1;
	s10 =	sld [smem:$0x3FBA];
	_ =	sdelay $0x3  }
0x37: {  	[smem:$0x3FBA] =	sst s10  }
0x38: {  	s10 =	sld [smem:$0x3FBB]  }
0x39: {  	_ = 	snop;
	(pc) =	sbr.ind lr, $3  }
0x3a: {  	_ = 	snop  }
0x3b: {  	_ = 	snop  }
0x3c: {  	p2 =	seq.s32 s10, $0x1;
	s10 =	sld [smem:$0x3FBA]  }
0x3d: {  	_ =	shalt  }
0x3e: {  	_ =	shalt  }
0x3f: {  	_ =	shalt  }
0x40: {  	_ =	shalt  }
0x41: {  	_ =	shalt  }
0x42: {  	_ =	shalt  }
0x43: {  	_ =	shalt  }
0x44: {  	_ =	shalt  }
0x45: {  	_ =	shalt  }
0x46: {  	_ =	shalt  }
0x47: {  	_ =	shalt  }
0x48: {  	_ =	shalt  }
0x49: {  	_ =	shalt  }
0x4a: {  	_ =	shalt  }
0x4b: {  	_ =	shalt  }
0x4c: {  	_ =	shalt  }
0x4d: {  	_ =	shalt  }
0x4e: {  	_ =	shalt  }
0x4f: {  	_ =	shalt  }
0x50: {  	_ =	shalt  }
0x51: {  	_ =	shalt  }
0x52: {  	_ =	shalt  }
0x53: {  	_ =	shalt  }
0x54: {  	_ =	shalt  }
0x55: {  	_ =	shalt  }
0x56: {  	_ =	shalt  }
0x57: {  	_ =	shalt  }
0x58: {  	_ =	shalt  }
0x59: {  	_ =	shalt  }
0x5a: {  	_ =	shalt  }
0x5b: {  	_ =	shalt  }
0x5c: {  	_ =	shalt  }
0x5d: {  	_ =	shalt  }
0x5e: {  	_ =	shalt  }
0x5f: {  	_ =	shalt  }
0x60: {  	_ =	shalt  }
0x61: {  	_ =	shalt  }
0x62: {  	_ =	shalt  }
0x63: {  	_ =	shalt  }
0x64: {  	_ =	shalt  }
0x65: {  	_ =	shalt  }
0x66: {  	_ =	shalt  }
0x67: {  	_ =	shalt  }
0x68: {  	_ =	shalt  }
0x69: {  	_ =	shalt  }
0x6a: {  	_ =	shalt  }
0x6b: {  	_ =	shalt  }
0x6c: {  	_ =	shalt  }
0x6d: {  	_ =	shalt  }
0x6e: {  	_ =	shalt  }
0x6f: {  	_ =	shalt  }
0x70: {  	_ =	shalt  }
0x71: {  	_ =	shalt  }
0x72: {  	_ =	shalt  }
0x73: {  	_ =	shalt  }
0x74: {  	_ =	shalt  }
0x75: {  	_ =	shalt  }
0x76: {  	_ =	shalt  }
0x77: {  	_ =	shalt  }
0x78: {  	_ =	shalt  }
0x79: {  	_ =	shalt  }
0x7a: {  	_ =	shalt  }
0x7b: {  	_ =	shalt  }
0x7c: {  	_ =	shalt  }
0x7d: {  	_ =	shalt  }
0x7e: {  	_ =	shalt  }
0x7f: {  	_ =	shalt  }
0x80: {  	_ =	shalt  }
0x81: {  	_ =	shalt  }
0x82: {  	_ =	shalt  }
0x83: {  	_ =	shalt  }
0x84: {  	_ =	shalt  }
0x85: {  	_ =	shalt  }
0x86: {  	_ =	shalt  }
0x87: {  	_ =	shalt  }
.Lfunc_end0:
.L_simem_size_0:
called_computation_lowered:
.L_overlay_start_0:
0x88: {  	s2 =	sld [smem:$0x3FD9]  }
0x89: {  	s3 =	sld [smem:$0x3FFE];
	_ =	sdelay $0x1  }
0x8a: {  	s1 =	srdreg.scid  }
0x8b: {  	s0 =	sand.u32 $0x1, s1  }
0x8c: {  	s17 =	sshll.u32 s0, $0xA;
	s2 =	sadd.s32 s3, s2  }
0x8d: {  	s2 =	sadd.s32 s2, s17  }
0x8e: {  	[smem:$0x3FC6] =	sst s2  }
0x8f: {  	_ = 	snop  }
0x90: {  	s2 =	sld [smem:$0x3FC9]  }
0x91: {  	s18 =	sld [smem:$0x3FC8];
	(tm) =	ssettm $0x1  }
0x92: {  	s4 =	sld [smem:$0x3FFB];
	_ =	sdelay $0x3  }
0x93: {  	_ =	strace s4  }
0x94: {  	s4 =	sld [smem:$0x3FFC];
	_ =	sdelay $0x3  }
0x95: {  	_ =	strace s4  }
0x96: {  	s4 =	sld [smem:$0x3FFD];
	_ =	sdelay $0x3  }
0x97: {  	_ =	strace s4  }
0x98: {  	_ =	strace $0x8FFFFFFF  }
0x99: {  	s19 =	sld [smem:$0x3FDB];
	_ =	sdelay $0x1  }
0x9a: {  	s5 =	simm.s32 $_scs_section_size  }
0x9b: {  	s6 =	simm.s32 $_size__tile_overlayer_lowered;
	s7 =	simm.s32 $_tile_overlayer_lowered  }
0x9c: {  	s22 =	simm.s32 $0x1BFF;
	s21 =	sshll.u32 s7, $0x1;
	s4 =	sadd.s32 s5, s19  }
0x9d: {  	s8 =	simm.s32 $0x0;
	s20 =	sshll.u32 s6, $0x1;
	s6 =	sadd.s32 s21, s4  }
0x9e: {  	[timem:s8], [sflag:s22] =	dma.local [hbm:s6], s20  }
0x9f: {  	_ =	swait.ge [sflag:s22], s20  }
0xa0: {  	s5 =	ssub.s32 $0x0, s20;
	[sflag:s22] =	ssyncset.done $0x0  }
0xa1: {  	[sflag:s22] =	ssyncadd.s32 s5;
	_ =	sdelay $0x1  }
0xa2: {  	s23 =	simm.s32 $0x1B8B  }
0xa3: {  	_ =	swait.ge [sflag:s23], $0x1  }
0xa4: {  	[sflag:s23] =	ssyncset.done $0x0  }
0xa5: {  	s25 =	simm.s32 $0x1B8E;
	s24 =	sld [smem:$0x3FFE];
	[sflag:s23] =	ssyncadd.s32 $0xFFFFFFFF  }
0xa6: {  	s26 =	simm.s32 $execute0_lowered;
	[smem:$0x3FD2] =	sst s25  }
0xa7: {  	s6 =	sshll.u32 s26, $0x1;
	_ =	strace $0x80000046;
	[dreg:$0x1] =	wrdreg $0xFFFFFFFF  }
0xa8: {  	s28 =	simm.s32 $_size_execute0_lowered;
	s4 =	sadd.s32 s4, s6;
	[dreg:$0x0] =	wrdreg $0x0  }
0xa9: {  	s6 =	sshll.u32 s28, $0x1;
	[dreg:$0x2] =	wrdreg s4  }
0xaa: {  	[dreg:$0x3] =	wrdreg s6  }
0xab: {  	[dreg:$0x4] =	wrdreg $0xC0  }
0xac: {  	_ =	task [dreg:s8], $0x5FFFF  }
0xad: {  	[dreg:$0x1] =	wrdreg $0xFFFFFFFF  }
0xae: {  	[dreg:$0x0] =	wrdreg $0x60  }
0xaf: {  	[dreg:$0x2] =	wrdreg s2  }
0xb0: {  	[dreg:$0x3] =	wrdreg s18  }
0xb1: {  	[dreg:$0x4] =	wrdreg s24  }
0xb2: {  	[dreg:$0x5] =	wrdreg $0x9  }
0xb3: {  	_ =	task.clear_ibuf [dreg:s8], $0x6FFFF;
	_ =	strace $0x90000046  }
0xb4: {  	s29 =	simm.s32 $0x9;
	_ =	strace $0x80000048  }
0xb5: {  	_ =	swait.ge [sflag:s29], $0x1  }
0xb6: {  	[sflag:s29] =	ssyncadd.s32 $0xFFFFFFFF  }
0xb7: {  	_ =	strace $0x90000048  }
0xb8: {  	_ =	sfence  }
0xb9: {  	s30 =	sld [smem:$0x0];
	_ =	sdelay $0x2  }
0xba: {  	s31 =	sshll.u32 s1, $0xD;
	s1 =	sshrl.u32 s1, $0x2  }
0xbb: {  	s3 =	sand.u32 $0x4000, s31;
	s1 =	sadd.s32 s1, s30  }
0xbc: {  	s0 =	sor.u32 s3, s0;
	s1 =	sshll.u32 s1, $0x11  }
0xbd: {  	s0 =	sor.u32 s1, s0  }
0xbe: {  	s0 =	sadd.s32 $0x8F2B, s0  }
0xbf: {  	[sflag:s0] =	ssyncadd.remote.s32 $0x1  }
0xc0: {  	_ =	sfence.sel $0xFFFF  }
0xc1: {  	[dreg:$0x0] =	wrdreg $0xFFFFFFFF;
	(pc) =	sbr.abs _section_cstart, $3  }
0xc2: {  	[dreg:$0x1] =	wrdreg $0xFFFFFFFF  }
0xc3: {  	_ =	task.clear_ibuf [dreg:s8], $0x2FFFF;
	_ =	strace $0x9FFFFFFF  }
0xc4: {  	(tm) =	ssettm $0x7FFFFFFF  }
0xc5: {  	_ =	shalt  }
tec
execute0_lowered:
.L_overlay_start_1:
0x0: {  	(tag) =	ssettag $0x1  }
0x1: {  	s4 =	rddreg [dreg:$0x0]  }
0x2: {  	s3 =	rddreg [dreg:$0x1]  }
0x3: {  	s1 =	srdreg.scid;
	s0 =	stileid.u32  }
0x4: {  	s8 =	rddreg [dreg:$0x2];
	s2 =	simm.s32 $0x0;
	s11 =	simm.s32 $0x2000  }
0x5: {  	s12 =	simm.s32 $0x4000;
	s13 =	simm.s32 $0x6000;
	s14 =	simm.s32 $0x1  }
0x6: {  	s15 =	simm.s32 $0xA000;
	s16 =	simm.s32 $0x2;
	s17 =	simm.s32 $0x0  }
0x7: {  	s5 =	sand.u32 $0x1, s1;
	s6 =	sshll.u32 s0, $0x1;
	s1 =	rddreg [dreg:$0x3]  }
0x8: {  	[smem:$0x7FF] =	sst s2;
	s6 =	sor.u32 s5, s6;
	s5 =	ssub.s32 $0x2, s5  }
0x9: {  	_ =	strace $0x80000047;
	s7 =	sshll.u32 s6, $0xA;
	s9 =	sshrl.u32 s5, $0x1  }
0xa: {  	s10 =	sshll.u32 s6, $0x1;
	s3 =	sadd.s32 s7, s3;
	s9 =	ssub.s32 s5, s9  }
0xb: {  	s7 =	sadd.s32 s7, s4;
	s8 =	sadd.s32 s8, s10;
	s10 =	simm.s32 $0x8000  }
0xc: {  	s3 =	sadd.s32 $0x38000, s3;
	s4 =	sadd.s32 $0xE0000, s7;
	s5 =	sadd.s32 $0xE8000, s7  }
0xd: {  	v0 =	vlaneseq.u32;
	s6 =	sadd.s32 $0xF0000, s7;
	s7 =	sadd.s32 $0xF8000, s7;
	s9 =	smax.u32 s9, $0x1  }
.LBB2_1:
0xe: {  	[tilespmem:s10], [sflag:$0x1] =	stream.linear.gather [hbm4b:s3+s2], $0x2000, $0x38;
	[tilespmem:$0xA080] =	vst v63  }
0xf: {  	_ = 	snop  }
0x10: {  	[tilespmem:s2], [sflag:$0x1] =	stream.linear.gather [hbm4b:s4+s2], $0x2000, $0x38;
	[tilespmem:$0xA080] =	vst v63  }
0x11: {  	_ = 	snop  }
0x12: {  	[tilespmem:s11], [sflag:$0x1] =	stream.linear.gather [hbm4b:s5+s2], $0x2000, $0x38;
	[tilespmem:$0xA080] =	vst v63  }
0x13: {  	_ = 	snop  }
0x14: {  	[tilespmem:s12], [sflag:$0x1] =	stream.linear.gather [hbm4b:s6+s2], $0x2000, $0x38;
	[tilespmem:$0xA080] =	vst v63  }
0x15: {  	_ = 	snop  }
0x16: {  	[tilespmem:s13], [sflag:$0x1] =	stream.linear.gather [hbm4b:s7+s2], $0x2000, $0x38;
	[tilespmem:$0xA080] =	vst v63  }
0x17: {  	_ =	swait.ge [sflag:s14], $0x2000  }
0x18: {  	[sflag:s14] =	ssyncset.done $0x0  }
0x19: {  	[sflag:s14] =	ssyncadd.s32 $0xFFFFE000  }
0x1a: {  	_ =	swait.ge [sflag:s14], $0x2000  }
0x1b: {  	[sflag:s14] =	ssyncset.done $0x0  }
0x1c: {  	s18 =	simm.s32 $0x0;
	[sflag:s14] =	ssyncadd.s32 $0xFFFFE000  }
0x1d: {  	s19 =	sand.u32 $0x1000, s2;
	s20 =	sand.u32 $0xC00, s2;
	_ =	swait.ge [sflag:s14], $0x2000  }
0x1e: {  	s24 =	sand.u32 $0x200, s2;
	s21 =	sand.u32 $0xC, s18;
	[sflag:s14] =	ssyncset.done $0x0  }
0x1f: {  	s22 =	sand.u32 $0x1F0, s18;
	s19 =	sor.u32 s20, s19;
	[sflag:s14] =	ssyncadd.s32 $0xFFFFE000  }
0x20: {  	s18 =	sand.u32 $0x70, s18;
	s26 =	sor.u32 $0x1, s21;
	_ =	swait.ge [sflag:s14], $0x2000  }
0x21: {  	s23 =	sor.u32 $0x3, s21;
	s19 =	sor.u32 $0x8000, s19;
	[sflag:s14] =	ssyncset.done $0x0  }
0x22: {  	v3 =	vmov s21;
	s21 =	sor.u32 $0x2, s21;
	s25 =	sshll.u32 s23, $0x7;
	[sflag:s14] =	ssyncadd.s32 $0xFFFFE000  }
0x23: {  	s24 =	sor.u32 s24, s19;
	s28 =	sshll.u32 s26, $0x7;
	_ =	swait.ge [sflag:s14], $0x2000  }
0x24: {  	v1 =	vmov s22;
	v2 =	vor.u32 s22, v0;
	s25 =	sand.u32 $0x380, s25;
	s24 =	sor.u32 s18, s24;
	[sflag:s14] =	ssyncset.done $0x0  }
0x25: {  	v1 =	vshll.u32 v1, $0x3;
	v4 =	vmov s26;
	v5 =	vmov s23;
	s29 =	sand.u32 $0x280, s28;
	s30 =	sor.u32 s25, s19;
	[sflag:s14] =	ssyncadd.s32 $0xFFFFE000  }
0x26: {  	s31 =	sshll.u32 s21, $0x7;
	v7 =	vshll.u32 v3, $0x9;
	v9 =	vmov s21;
	v3 =	vshll.u32 v3, $0x7;
	s20 =	sor.u32 s29, s19;
	v6 =	vld [tilespmem:s24+$0x0];
	s24 =	sor.u32 s18, s30  }
0x27: {  	v2 =	vand.u32 $0x7F, v2;
	v8 =	vshll.u32 v4, $0x7;
	v10 =	vshll.u32 v5, $0x7;
	s25 =	sand.u32 $0x300, s31;
	s20 =	sor.u32 s18, s20;
	v12 =	vld [tilespmem:s24+$0x0]  }
0x28: {  	v4 =	vshll.u32 v4, $0x9;
	v11 =	vshll.u32 v9, $0x7;
	v9 =	vshll.u32 v9, $0x9;
	s19 =	sor.u32 s25, s19;
	v13 =	vld [tilespmem:s20+$0x0]  }
0x29: {  	v5 =	vshll.u32 v5, $0x9;
	v3 =	vand.u32 $0x200, v3;
	v7 =	vand.u32 $0x1000, v7;
	s18 =	sor.u32 s18, s19  }
0x2a: {  	v1 =	vand.u32 $0xC00, v1;
	v5 =	vand.u32 $0x1000, v5;
	v10 =	vand.u32 $0x380, v10;
	v14 =	vld [tilespmem:s18+$0x0]  }
0x2b: {  	v8 =	vand.u32 $0x280, v8;
	v11 =	vand.u32 $0x300, v11;
	v15 =	vshll.u32 v6, $0xD  }
0x2c: {  	v4 =	vand.u32 $0x1000, v4;
	v7 =	vor.u32 v7, v15;
	v15 =	vshll.u32 v12, $0xD  }
0x2d: {  	v3 =	vor.u32 v3, v7;
	v7 =	vshll.u32 v13, $0xD;
	v5 =	vor.u32 v5, v15  }
0x2e: {  	v9 =	vand.u32 $0x1000, v9;
	v4 =	vor.u32 v4, v7;
	v5 =	vor.u32 v10, v5  }
0x2f: {  	s18 =	simm.s32 $0x4;
	v3 =	vor.u32 v1, v3;
	v7 =	vshll.u32 v14, $0xD;
	v5 =	vor.u32 v1, v5  }
0x30: {  	s30 =	sand.u32 $0xC, s18;
	v7 =	vor.u32 v9, v7;
	v4 =	vor.u32 v8, v4;
	v3 =	vor.u32 v2, v3  }
0x31: {  	s31 =	sor.u32 $0x1, s30;
	v5 =	vor.u32 v2, v5;
	v7 =	vor.u32 v11, v7;
	v4 =	vor.u32 v1, v4  }
0x32: {  	s25 =	sor.u32 $0x3, s30;
	v23 =	vmov s31;
	v1 =	vor.u32 v1, v7;
	v4 =	vor.u32 v2, v4  }
0x33: {  	v24 =	vmov s25;
	v1 =	vor.u32 v2, v1;
	v2 =	vcvt.s32.f32 v14  }
0x34: {  	v26 =	vshll.u32 v23, $0x7;
	v27 =	vshll.u32 v24, $0x7;
	v7 =	vcvt.s32.f32 v13  }
0x35: {  	v23 =	vshll.u32 v23, $0x9;
	v12 =	vcvt.s32.f32 v12;
	v8 =	vld.idx.msk [tilespmem:v3+s2+$0x0], $0xffff;
	v9 =	vmul.f32 $2.073077000e-08, v2  }
0x36: {  	v27 =	vand.u32 $0x380, v27;
	v3 =	vcvt.s32.f32 v6;
	v6 =	vmul.f32 $2.073077000e-08, v7;
	v5 =	vld.idx.msk [tilespmem:v5+s2+$0x0], $0xffff  }
0x37: {  	v26 =	vand.u32 $0x280, v26;
	v11 =	vmul.f32 $2.073077000e-08, v12;
	v4 =	vld.idx.msk [tilespmem:v4+s2+$0x0], $0xffff;
	v9 =	vsub.f32 $1.353636210e-07, v9  }
0x38: {  	v23 =	vand.u32 $0x1000, v23;
	v14 =	vmul.f32 $2.073077000e-08, v3;
	v6 =	vsub.f32 $1.353636210e-07, v6  }
0x39: {  	v11 =	vsub.f32 $1.353636210e-07, v11;
	v10 =	vld.idx.msk [tilespmem:v1+s2+$0x0], $0xffff;
	v1 =	vimm.f32 $0.0e+00;
	v9 =	vmul.f32 v2, v9  }
0x3a: {  	v6 =	vmul.f32 v7, v6;
	v14 =	vsub.f32 $1.353636210e-07, v14;
	v15 =	vmax.f32 v8, $9.999999930e-09  }
0x3b: {  	v5 =	vmax.f32 v5, $9.999999930e-09;
	v13 =	vand.u32 $0x7FFFFF, v15;
	v9 =	vadd.f32 $-2.648618530e-07, v9  }
0x3c: {  	v6 =	vadd.f32 $-2.648618530e-07, v6;
	v8 =	vand.u32 $0x7FFFFF, v5;
	v4 =	vmax.f32 v4, $9.999999930e-09  }
0x3d: {  	v13 =	vor.u32 $0x3F800000, v13;
	v5 =	vshra.s32 v5, $0x17;
	v8 =	vor.u32 $0x3F800000, v8  }
0x3e: {  	v16 =	vand.u32 $0x7FFFFF, v4;
	v17 =	vmax.f32 v10, $9.999999930e-09;
	v22 =	vmul.f32 v2, v9  }
0x3f: {  	v10 =	vadd.f32 $-1.000000000e+00, v8;
	v16 =	vor.u32 $0x3F800000, v16;
	v8 =	vadd.f32 $-1.000000000e+00, v13  }
0x40: {  	v6 =	vmul.f32 v7, v6;
	v13 =	vand.u32 $0x7FFFFF, v17;
	v18 =	vadd.f32 $-1.000000000e+00, v16  }
0x41: {  	v13 =	vor.u32 $0x3F800000, v13;
	v16 =	vmul.f32 $8.001088350e-02, v10;
	v19 =	vmul.f32 $8.001088350e-02, v8  }
0x42: {  	v4 =	vshra.s32 v4, $0x17;
	v21 =	vadd.f32 $-1.000000000e+00, v13;
	v20 =	vmul.f32 $8.001088350e-02, v18  }
0x43: {  	v4 =	vcvt.s32.f32 v4;
	v13 =	vsub.f32 $3.154675960e-01, v16;
	v16 =	vsub.f32 $3.154675960e-01, v19  }
0x44: {  	v19 =	vmul.f32 v12, v11;
	v11 =	vsub.f32 $3.154675960e-01, v20;
	v20 =	vmul.f32 $8.001088350e-02, v21  }
0x45: {  	v6 =	vadd.f32 $-7.581950000e-08, v6;
	v13 =	vmul.f32 v13, v10;
	v16 =	vmul.f32 v16, v8  }
0x46: {  	v19 =	vadd.f32 $-2.648618530e-07, v19;
	v2 =	vmul.f32 v11, v18;
	v9 =	vsub.f32 $3.154675960e-01, v20  }
0x47: {  	v20 =	vmov s30;
	v7 =	vadd.f32 $-6.729341750e-01, v13;
	v11 =	vadd.f32 $-6.729341750e-01, v16  }
0x48: {  	s26 =	simm.s32 $0x800;
	s29 =	simm.s32 $0x20;
	v25 =	vshll.u32 v20, $0x9;
	v19 =	vmul.f32 v12, v19;
	v2 =	vadd.f32 $-6.729341750e-01, v2  }
0x49: {  	s21 =	sand.u32 $0xC00, s29;
	s19 =	sand.u32 $0x1000, s26;
	v12 =	vmul.f32 v3, v14;
	v20 =	vshll.u32 v20, $0x7;
	v9 =	vmul.f32 v9, v21  }
0x4a: {  	s26 =	simm.s32 $0x200;
	s19 =	sor.u32 s21, s19;
	v25 =	vand.u32 $0x1000, v25;
	v7 =	vmul.f32 v7, v10;
	v2 =	vmul.f32 v2, v18  }
0x4b: {  	s29 =	sand.u32 $0x200, s26;
	s28 =	sand.u32 $0x1F0, s18;
	s19 =	sor.u32 $0x8000, s19;
	v13 =	vmul.f32 v11, v8;
	v11 =	vshra.s32 v15, $0x17;
	v9 =	vadd.f32 $-6.729341750e-01, v9  }
0x4c: {  	s22 =	sor.u32 s29, s19;
	v15 =	vmov s28;
	v16 =	vadd.f32 $1.437302110e+00, v7;
	v2 =	vadd.f32 $1.437302110e+00, v2  }
0x4d: {  	s23 =	sshll.u32 s25, $0x7;
	v7 =	vshra.s32 v17, $0x17;
	v17 =	vor.u32 s28, v0;
	s28 =	sor.u32 $0x2, s30;
	s30 =	sand.u32 $0x70, s18;
	v13 =	vadd.f32 $1.437302110e+00, v13  }
0x4e: {  	s23 =	sand.u32 $0x380, s23;
	v11 =	vcvt.s32.f32 v11;
	v15 =	vshll.u32 v15, $0x3;
	s22 =	sor.u32 s30, s22;
	v2 =	vmul.f32 v2, v18  }
0x4f: {  	s20 =	sshll.u32 s31, $0x7;
	s23 =	sor.u32 s23, s19;
	v15 =	vand.u32 $0xC00, v15;
	v9 =	vmul.f32 v9, v21;
	v29 =	vld [tilespmem:s22+$0x0];
	v8 =	vmul.f32 v13, v8  }
0x50: {  	s20 =	sand.u32 $0x280, s20;
	v28 =	vmov s28;
	s21 =	sshll.u32 s28, $0x7;
	s31 =	sor.u32 s30, s23;
	v10 =	vmul.f32 v16, v10;
	v2 =	vadd.f32 $-1.269999010e+02, v2  }
0x51: {  	s20 =	sor.u32 s20, s19;
	s21 =	sand.u32 $0x300, s21;
	v14 =	vld [tilespmem:s31+$0x0];
	v9 =	vadd.f32 $1.437302110e+00, v9;
	v18 =	vshll.u32 v28, $0x7;
	v8 =	vadd.f32 $-1.269999010e+02, v8  }
0x52: {  	s20 =	sor.u32 s30, s20;
	v17 =	vand.u32 $0x7F, v17;
	s19 =	sor.u32 s21, s19;
	v18 =	vand.u32 $0x300, v18;
	v2 =	vadd.f32 v4, v2  }
0x53: {  	s19 =	sor.u32 s30, s19;
	v10 =	vadd.f32 $-1.269999010e+02, v10;
	v9 =	vmul.f32 v9, v21;
	v21 =	vld [tilespmem:s20+$0x0];
	v8 =	vadd.f32 v11, v8  }
0x54: {  	v60 =	vshll.u32 v29, $0xD;
	v2 =	vmul.f32 v2, v6;
	v6 =	vand.u32 $0x200, v20;
	v20 =	vld [tilespmem:s19+$0x0]  }
0x55: {  	v4 =	vcvt.s32.f32 v7;
	v7 =	vshll.u32 v24, $0x9;
	v25 =	vor.u32 v25, v60  }
0x56: {  	v24 =	vshll.u32 v28, $0x9;
	v61 =	vshll.u32 v14, $0xD;
	v6 =	vor.u32 v6, v25  }
0x57: {  	v7 =	vand.u32 $0x1000, v7;
	v24 =	vand.u32 $0x1000, v24;
	v6 =	vor.u32 v15, v6  }
0x58: {  	v7 =	vor.u32 v7, v61;
	v25 =	vshll.u32 v21, $0xD;
	v6 =	vor.u32 v17, v6  }
0x59: {  	v7 =	vor.u32 v27, v7;
	v23 =	vor.u32 v23, v25;
	v25 =	vshll.u32 v20, $0xD  }
0x5a: {  	v21 =	vcvt.s32.f32 v21;
	v7 =	vor.u32 v15, v7;
	v24 =	vor.u32 v24, v25  }
0x5b: {  	v23 =	vor.u32 v26, v23;
	v7 =	vor.u32 v17, v7;
	v18 =	vor.u32 v18, v24  }
0x5c: {  	v23 =	vor.u32 v15, v23;
	v20 =	vcvt.s32.f32 v20;
	v15 =	vor.u32 v15, v18  }
0x5d: {  	v18 =	vor.u32 v17, v23;
	v6 =	vld.idx.msk [tilespmem:v6+s2+$0x0], $0xffff;
	v15 =	vor.u32 v17, v15;
	v17 =	vadd.f32 $-1.269999010e+02, v9  }
0x5e: {  	v25 =	vadd.f32 $-2.648618530e-07, v12;
	v23 =	vmul.f32 $2.073077000e-08, v20;
	v9 =	vcvt.s32.f32 v14  }
0x5f: {  	v14 =	vadd.f32 v4, v17;
	v17 =	vadd.f32 $-7.581950000e-08, v22;
	v22 =	vmul.f32 $2.073077000e-08, v21  }
0x60: {  	v27 =	vadd.f32 $-7.581950000e-08, v19;
	v7 =	vld.idx.msk [tilespmem:v7+s2+$0x0], $0xffff;
	v23 =	vsub.f32 $1.353636210e-07, v23;
	v24 =	vmul.f32 $2.073077000e-08, v9  }
0x61: {  	v25 =	vmul.f32 v3, v25;
	v14 =	vmul.f32 v14, v17;
	v17 =	vsub.f32 $1.353636210e-07, v22  }
0x62: {  	v22 =	vmul.f32 v20, v23;
	v23 =	vsub.f32 $1.353636210e-07, v24;
	v24 =	vld.idx.msk [tilespmem:v18+s2+$0x0], $0xffff;
	v18 =	vmax.f32 v6, $9.999999930e-09  }
0x63: {  	v4 =	vcvt.s32.f32 v29;
	v6 =	vand.u32 $0x7FFFFF, v18;
	v3 =	vadd.f32 v14, v1  }
0x64: {  	v26 =	vld.idx.msk [tilespmem:v15+s2+$0x0], $0xffff;
	v17 =	vmul.f32 v21, v17;
	v22 =	vadd.f32 $-2.648618530e-07, v22;
	v15 =	vmul.f32 v9, v23  }
0x65: {  	v23 =	vcvt.s32.f32 v5;
	v14 =	vmax.f32 v7, $9.999999930e-09;
	v6 =	vor.u32 $0x3F800000, v6  }
0x66: {  	v6 =	vadd.f32 $-1.000000000e+00, v6;
	v5 =	vadd.f32 $-2.648618530e-07, v17;
	v17 =	vand.u32 $0x7FFFFF, v14  }
0x67: {  	v7 =	vmul.f32 v20, v22;
	v17 =	vor.u32 $0x3F800000, v17;
	v19 =	vmax.f32 v24, $9.999999930e-09  }
0x68: {  	v21 =	vmul.f32 v21, v5;
	v5 =	vadd.f32 $-1.000000000e+00, v17;
	v17 =	vand.u32 $0x7FFFFF, v19  }
0x69: {  	v22 =	vadd.f32 $-7.581950000e-08, v25;
	v24 =	vmax.f32 v26, $9.999999930e-09;
	v17 =	vor.u32 $0x3F800000, v17  }
0x6a: {  	v26 =	vand.u32 $0x7FFFFF, v24;
	v25 =	vmul.f32 $8.001088350e-02, v5;
	v20 =	vadd.f32 $-1.000000000e+00, v17  }
0x6b: {  	v17 =	vshra.s32 v19, $0x17;
	v19 =	vor.u32 $0x3F800000, v26;
	v26 =	vmul.f32 $8.001088350e-02, v6  }
0x6c: {  	v19 =	vadd.f32 $-1.000000000e+00, v19;
	v25 =	vsub.f32 $3.154675960e-01, v25;
	v62 =	vmul.f32 $8.001088350e-02, v20  }
0x6d: {  	v2 =	vadd.f32 v2, v1;
	v12 =	vmul.f32 $2.073077000e-08, v4;
	v16 =	vsub.f32 $3.154675960e-01, v26  }
0x6e: {  	v26 =	vmul.f32 $8.001088350e-02, v19;
	v25 =	vmul.f32 v25, v5;
	v13 =	vsub.f32 $3.154675960e-01, v62  }
0x6f: {  	v10 =	vadd.f32 v23, v10;
	v22 =	vmul.f32 v8, v22;
	v16 =	vmul.f32 v16, v6  }
0x70: {  	v26 =	vsub.f32 $3.154675960e-01, v26;
	v25 =	vadd.f32 $-6.729341750e-01, v25;
	v13 =	vmul.f32 v13, v20  }
0x71: {  	v8 =	vimm.f32 $0.0e+00;
	v23 =	vadd.f32 $-6.729341750e-01, v16;
	v16 =	vadd.f32 $-7.581950000e-08, v21  }
0x72: {  	v26 =	vmul.f32 v26, v19;
	v25 =	vmul.f32 v25, v5;
	v63 =	vadd.f32 $-6.729341750e-01, v13  }
0x73: {  	v21 =	vshra.s32 v24, $0x17;
	v13 =	vmul.f32 v10, v27;
	v10 =	vmul.f32 v23, v6  }
0x74: {  	s21 =	simm.s32 $0x1000;
	s20 =	simm.s32 $0x40;
	s19 =	simm.s32 $0x400;
	v24 =	vadd.f32 $-6.729341750e-01, v26;
	v11 =	vadd.f32 $1.437302110e+00, v25;
	v23 =	vmul.f32 v63, v20  }
.LBB2_2:
0x75: {  	s18 =	sadd.s32 $0x4, s18;
	s22 =	sand.u32 $0x1000, s21;
	s23 =	sand.u32 $0xC00, s20;
	v18 =	vshra.s32 v18, $0x17;
	v1 =	vadd.f32 v22, v1;
	v8 =	vadd.f32 v13, v8  }
0x76: {  	s24 =	sand.u32 $0xC, s18;
	s25 =	sand.u32 $0x1F0, s18;
	s22 =	sor.u32 s23, s22;
	v13 =	vcvt.s32.f32 v18;
	v18 =	vadd.f32 $1.437302110e+00, v23;
	v22 =	vmul.f32 v24, v19  }
0x77: {  	v23 =	vmov s25;
	v24 =	vor.u32 s25, v0;
	v25 =	vmov s24;
	s23 =	sor.u32 $0x1, s24;
	s25 =	sor.u32 $0x2, s24;
	s24 =	sor.u32 $0x3, s24  }
0x78: {  	v23 =	vshll.u32 v23, $0x3;
	s26 =	sshll.u32 s23, $0x7;
	v26 =	vmov s23;
	s23 =	sshll.u32 s25, $0x7;
	s28 =	sshll.u32 s24, $0x7;
	v27 =	vmov s24  }
0x79: {  	v28 =	vshll.u32 v25, $0x9;
	s24 =	sand.u32 $0x280, s26;
	v29 =	vshll.u32 v26, $0x7;
	s23 =	sand.u32 $0x300, s23;
	s26 =	sand.u32 $0x380, s28;
	v30 =	vshll.u32 v27, $0x7  }
0x7a: {  	p0 =	slt.u32 s18, $0x1FC;
	s22 =	sor.u32 $0x8000, s22;
	v31 =	vmov s25;
	v18 =	vmul.f32 v18, v20;
	s28 =	sand.u32 $0x200, s19;
	v26 =	vshll.u32 v26, $0x9  }
0x7b: {  	v15 =	vadd.f32 $-2.648618530e-07, v15;
	s25 =	sand.u32 $0x70, s18;
	v22 =	vadd.f32 $1.437302110e+00, v22;
	v20 =	vshll.u32 v31, $0x7;
	s28 =	sor.u32 s28, s22;
	s26 =	sor.u32 s26, s22  }
0x7c: {  	v12 =	vsub.f32 $1.353636210e-07, v12;
	v17 =	vcvt.s32.f32 v17;
	s24 =	sor.u32 s24, s22;
	v18 =	vadd.f32 $-1.269999010e+02, v18;
	s28 =	sor.u32 s25, s28;
	s26 =	sor.u32 s25, s26  }
0x7d: {  	v14 =	vshra.s32 v14, $0x17;
	v15 =	vmul.f32 v9, v15;
	s22 =	sor.u32 s23, s22;
	v19 =	vmul.f32 v22, v19;
	s24 =	sor.u32 s25, s24;
	v32 =	vld [tilespmem:s28+$0x0]  }
0x7e: {  	v12 =	vmul.f32 v4, v12;
	s22 =	sor.u32 s25, s22;
	v17 =	vadd.f32 v17, v18;
	v18 =	vcvt.s32.f32 v21;
	v9 =	vld [tilespmem:s26+$0x0]  }
0x7f: {  	v27 =	vshll.u32 v27, $0x9;
	v21 =	vshll.u32 v25, $0x7;
	v25 =	vshll.u32 v31, $0x9;
	v22 =	vld [tilespmem:s24+$0x0]  }
0x80: {  	v27 =	vand.u32 $0x1000, v27;
	v30 =	vand.u32 $0x380, v30;
	v16 =	vmul.f32 v17, v16;
	v31 =	vld [tilespmem:s22+$0x0]  }
0x81: {  	v20 =	vand.u32 $0x300, v20;
	v17 =	vand.u32 $0x200, v21;
	v21 =	vand.u32 $0x280, v29  }
0x82: {  	v28 =	vand.u32 $0x1000, v28;
	v26 =	vand.u32 $0x1000, v26;
	v29 =	vshll.u32 v32, $0xD  }
0x83: {  	v25 =	vand.u32 $0x1000, v25;
	v28 =	vor.u32 v28, v29;
	v29 =	vshll.u32 v9, $0xD  }
0x84: {  	v17 =	vor.u32 v17, v28;
	v28 =	vshll.u32 v22, $0xD;
	v27 =	vor.u32 v27, v29  }
0x85: {  	v23 =	vand.u32 $0xC00, v23;
	v26 =	vor.u32 v26, v28;
	v27 =	vor.u32 v30, v27  }
0x86: {  	v24 =	vand.u32 $0x7F, v24;
	v17 =	vor.u32 v23, v17;
	v28 =	vshll.u32 v31, $0xD  }
0x87: {  	v17 =	vor.u32 v24, v17;
	v25 =	vor.u32 v25, v28;
	v27 =	vor.u32 v23, v27  }
0x88: {  	v21 =	vor.u32 v21, v26;
	v20 =	vor.u32 v20, v25;
	v25 =	vor.u32 v24, v27  }
0x89: {  	v21 =	vor.u32 v23, v21;
	v20 =	vor.u32 v23, v20;
	v23 =	vcvt.s32.f32 v31  }
0x8a: {  	v19 =	vadd.f32 $-1.269999010e+02, v19;
	v21 =	vor.u32 v24, v21;
	v20 =	vor.u32 v24, v20  }
0x8b: {  	v2 =	vadd.f32 v16, v2;
	v22 =	vcvt.s32.f32 v22;
	v24 =	vmul.f32 $2.073077000e-08, v23  }
0x8c: {  	v7 =	vadd.f32 $-7.581950000e-08, v7;
	v9 =	vcvt.s32.f32 v9;
	v16 =	vld.idx.msk [tilespmem:v17+s2+$0x0], $0xffff;
	v17 =	vadd.f32 v18, v19  }
0x8d: {  	v18 =	vcvt.s32.f32 v32;
	v19 =	vmul.f32 $2.073077000e-08, v22;
	v24 =	vsub.f32 $1.353636210e-07, v24;
	v25 =	vld.idx.msk [tilespmem:v25+s2+$0x0], $0xffff  }
0x8e: {  	v26 =	vmul.f32 $2.073077000e-08, v9;
	v27 =	vadd.f32 $-2.648618530e-07, v12;
	v7 =	vmul.f32 v17, v7  }
0x8f: {  	v12 =	vmul.f32 $2.073077000e-08, v18;
	v19 =	vsub.f32 $1.353636210e-07, v19;
	v17 =	vld.idx.msk [tilespmem:v21+s2+$0x0], $0xffff;
	v21 =	vmul.f32 v23, v24  }
0x90: {  	v24 =	vsub.f32 $1.353636210e-07, v26;
	v26 =	vmul.f32 v4, v27;
	v4 =	vmovc v18;
	v20 =	vld.idx.msk [tilespmem:v20+s2+$0x0], $0xffff;
	v3 =	vadd.f32 v7, v3  }
0x91: {  	v7 =	vmul.f32 v22, v19;
	v19 =	vadd.f32 $-2.648618530e-07, v21;
	v21 =	vadd.f32 $-7.581950000e-08, v15  }
0x92: {  	v18 =	vmax.f32 v16, $9.999999930e-09;
	v15 =	vmul.f32 v9, v24;
	v24 =	vcvt.s32.f32 v14  }
0x93: {  	v16 =	vand.u32 $0x7FFFFF, v18;
	v27 =	vadd.f32 $-2.648618530e-07, v7;
	v14 =	vmax.f32 v25, $9.999999930e-09  }
0x94: {  	v7 =	vmul.f32 v23, v19;
	v19 =	vand.u32 $0x7FFFFF, v14;
	v23 =	vadd.f32 $-7.581950000e-08, v26  }
0x95: {  	v17 =	vmax.f32 v17, $9.999999930e-09;
	v22 =	vmul.f32 v22, v27;
	v19 =	vor.u32 $0x3F800000, v19  }
0x96: {  	v25 =	vand.u32 $0x7FFFFF, v17;
	v26 =	vmax.f32 v20, $9.999999930e-09;
	v19 =	vadd.f32 $-1.000000000e+00, v19  }
0x97: {  	v16 =	vor.u32 $0x3F800000, v16;
	v20 =	vor.u32 $0x3F800000, v25;
	v25 =	vand.u32 $0x7FFFFF, v26  }
0x98: {  	v27 =	vadd.f32 $-1.000000000e+00, v16;
	v20 =	vadd.f32 $-1.000000000e+00, v20;
	v16 =	vmul.f32 $8.001088350e-02, v19  }
0x99: {  	v11 =	vmul.f32 v11, v5;
	v17 =	vshra.s32 v17, $0x17;
	v25 =	vor.u32 $0x3F800000, v25;
	v5 =	vmovc v19  }
0x9a: {  	v10 =	vadd.f32 $1.437302110e+00, v10;
	v28 =	vmul.f32 $8.001088350e-02, v27;
	v29 =	vsub.f32 $3.154675960e-01, v16  }
0x9b: {  	v19 =	vadd.f32 $-1.000000000e+00, v25;
	v30 =	vmul.f32 $8.001088350e-02, v20;
	v16 =	vadd.f32 $-7.581950000e-08, v22  }
0x9c: {  	v10 =	vmul.f32 v10, v6;
	v6 =	vmovc v27;
	v22 =	vsub.f32 $3.154675960e-01, v28;
	v25 =	vmul.f32 v29, v5  }
0x9d: {  	v11 =	vadd.f32 $-1.269999010e+02, v11;
	v28 =	vmul.f32 $8.001088350e-02, v19;
	v27 =	vsub.f32 $3.154675960e-01, v30  }
0x9e: {  	v10 =	vadd.f32 $-1.269999010e+02, v10;
	v22 =	vmul.f32 v22, v6;
	v25 =	vadd.f32 $-6.729341750e-01, v25  }
.Ltmp0:
0x9f: {  	v11 =	vadd.f32 v24, v11;
	v28 =	vsub.f32 $3.154675960e-01, v28;
	v27 =	vmul.f32 v27, v20;
	(pc) =	sbr.rel @p0 .LBB2_2-.Ltmp0, $4  }
0xa0: {  	v22 =	vadd.f32 $-6.729341750e-01, v22;
	v24 =	vmul.f32 v25, v5;
	v25 =	vadd.f32 v13, v10  }
0xa1: {  	v28 =	vmul.f32 v28, v19;
	v27 =	vadd.f32 $-6.729341750e-01, v27;
	v13 =	vmul.f32 v11, v21  }
0xa2: {  	v10 =	vmul.f32 v22, v6;
	v11 =	vadd.f32 $1.437302110e+00, v24;
	v22 =	vmul.f32 v25, v23  }
0xa3: {  	s20 =	sadd.s32 $0x20, s20;
	s21 =	sadd.s32 $0x800, s21;
	s19 =	sadd.s32 $0x200, s19;
	v21 =	vshra.s32 v26, $0x17;
	v23 =	vmul.f32 v27, v20;
	v24 =	vadd.f32 $-6.729341750e-01, v28  }
0xa4: {  	v18 =	vshra.s32 v18, $0x17;
	v12 =	vsub.f32 $1.353636210e-07, v12;
	v15 =	vadd.f32 $-2.648618530e-07, v15  }
0xa5: {  	v17 =	vcvt.s32.f32 v17;
	v14 =	vshra.s32 v14, $0x17;
	v58 =	vcvt.s32.f32 v21  }
0xa6: {  	v10 =	vadd.f32 $1.437302110e+00, v10;
	v5 =	vmul.f32 v11, v5;
	v24 =	vmul.f32 v24, v19  }
0xa7: {  	v7 =	vadd.f32 $-7.581950000e-08, v7;
	v23 =	vadd.f32 $1.437302110e+00, v23;
	v61 =	vcvt.s32.f32 v14  }
0xa8: {  	v12 =	vmul.f32 v4, v12;
	v6 =	vmul.f32 v10, v6;
	v56 =	vadd.f32 $1.437302110e+00, v24  }
0xa9: {  	v9 =	vmul.f32 v9, v15;
	v5 =	vadd.f32 $-1.269999010e+02, v5;
	v20 =	vmul.f32 v23, v20  }
0xaa: {  	v12 =	vadd.f32 $-2.648618530e-07, v12;
	v6 =	vadd.f32 $-1.269999010e+02, v6;
	v57 =	vmul.f32 v56, v19  }
0xab: {  	v18 =	vcvt.s32.f32 v18;
	v9 =	vadd.f32 $-7.581950000e-08, v9;
	v20 =	vadd.f32 $-1.269999010e+02, v20  }
0xac: {  	v5 =	vadd.f32 v61, v5;
	v60 =	vmul.f32 v4, v12;
	v19 =	vadd.f32 $-1.269999010e+02, v57  }
0xad: {  	v6 =	vadd.f32 v18, v6;
	v17 =	vadd.f32 v17, v20  }
0xae: {  	v4 =	vadd.f32 $-7.581950000e-08, v60;
	v59 =	vadd.f32 v58, v19  }
0xaf: {  	v8 =	vadd.f32 v13, v8;
	v5 =	vmul.f32 v5, v9;
	v62 =	vmul.f32 v17, v16  }
0xb0: {  	v1 =	vadd.f32 v22, v1;
	v4 =	vmul.f32 v6, v4;
	v7 =	vmul.f32 v59, v7  }
0xb1: {  	v63 =	vadd.f32 v5, v8;
	v2 =	vadd.f32 v62, v2  }
0xb2: {  	v1 =	vadd.f32 v4, v1;
	v3 =	vadd.f32 v7, v3;
	_ =	sdelay $0x1  }
0xb3: {  	v1 =	vadd.f32 v2, v1;
	v2 =	vadd.f32 v63, v3;
	_ =	sdelay $0x1  }
0xb4: {  	s17 =	sadd.s32 $0x1, s17;
	v1 =	vadd.f32 v2, v1  }
0xb5: {  	p0 =	sne.s32 s17, s9  }
.Ltmp1:
0xb6: {  	[tilespmem:$0xA000] =	vst v1;
	(pc) =	sbr.rel @p0 .LBB2_1-.Ltmp1, $4  }
0xb7: {  	[hbm4b:s8+s2] =	stream.linear.scatter [tilespmem:s15], [sflag:$0x2], $0x10, $0x38;
	[tilespmem:$0xA080] =	vst v63  }
0xb8: {  	_ =	swait.ge [sflag:s16], $0x10  }
0xb9: {  	[sflag:s16] =	ssyncset.done $0x0  }
0xba: {  	[sflag:s16] =	ssyncadd.s32 $0xFFFFFFF0  }
0xbb: {  	_ =	sfence.sel $0x180000  }
0xbc: {  	[bflag:$0x0] =	sbarrier.arrive $0xFFFF  }
0xbd: {  	p0 =	sne.s32 s0, $0x0;
	_ =	strace $0x90000047  }
0xbe: {  	s0 =	sadd.s32 @!p0 $0x100000, s1;
	[bflag:$0x2] =	sbarrier.arrive $0xFFFF  }
0xbf: {  	[sflag:s0] =	ssyncadd.tile.s32 @!p0 $0x1;
	_ =	shalt  }
.Lfunc_end2:
_tile_overlayer_lowered:
.L_overlay_start_2:
0xc0: {  	(tag) =	ssettag $0x2  }
0xc1: {  	s0 =	rddreg [dreg:$0x0];
	s2 =	stileid.u32  }
0xc2: {  	s1 =	rddreg [dreg:$0x1];
	p0 =	sne.s32 s2, $0x0  }
0xc3: {  	s3 =	rddreg [dreg:$0x2];
	[bflag:$0x3] =	sbarrier.arrive $0xFFFF;
	s2 =	simm.s32 @!p0 $0x1C02  }
0xc4: {  	[timem:s3], [sflag:s2] =	dma.local @!p0 [hbm:s0], s1  }
0xc5: {  	s0 =	simm.s32 @!p0 $0x2  }
0xc6: {  	_ =	swait.ge @!p0 [sflag:s0], s1  }
0xc7: {  	s1 =	ssub.s32 @!p0 $0x0, s1;
	[sflag:s0] =	ssyncset.done @!p0 $0x0  }
0xc8: {  	[sflag:s0] =	ssyncadd.s32 @!p0 s1  }
0xc9: {  	[bflag:$0x3] =	sbarrier.arrive $0xFFFF  }
0xca: {  	_ =	shalt  }

</sc_bundles>
